<compile_context>
chip_gen: v7x
topology: tpu7x:2x2x1
jax: 0.10.2.dev20260603
libtpu: 0.0.44.dev20260713+nightly
codegen_flags: <defaults>
</compile_context>

<pallas_src>
import functools

import jax
import jax.numpy as jnp
from jax import lax
from jax.experimental import pallas as pl
from jax.experimental.pallas import tpu as pltpu
from jax.experimental.pallas import tpu_sc as plsc

_IOU_T = 0.7
_MAX_OUT = 256
_B = 128
_W = 1024


def _overlap_mask(x1c, y1c, x2c, y2c, x1r, y1r, x2r, y2r):
    area_c = (x2c - x1c + 1.0) * (y2c - y1c + 1.0)
    area_r = (x2r - x1r + 1.0) * (y2r - y1r + 1.0)
    xx1 = jnp.maximum(x1c, x1r)
    yy1 = jnp.maximum(y1c, y1r)
    xx2 = jnp.minimum(x2c, x2r)
    yy2 = jnp.minimum(y2c, y2r)
    w = jnp.maximum(0.0, xx2 - xx1 + 1.0)
    h = jnp.maximum(0.0, yy2 - yy1 + 1.0)
    inter = w * h
    denom = jnp.minimum(area_c, area_r)
    o = inter / denom
    return o > _IOU_T


def _nms_body(n, nblk, np_, npad, data_ref, dataT_ref, dataU_ref, ord_ref,
              out_ref, misc_ref, keep_ref):
    keep_ref[...] = jnp.where(
        jax.lax.broadcasted_iota(jnp.int32, (1, npad), 1) < n, 1.0, 0.0)
    tri = (jax.lax.broadcasted_iota(jnp.int32, (_B, _W), 1) >
           jax.lax.broadcasted_iota(jnp.int32, (_B, _W), 0))

    def block_step(b, _):
        base = b * _B
        blk = dataT_ref[pl.ds(base, _B), :]
        x1c = blk[:, 0:1]
        y1c = blk[:, 1:2]
        x2c = blk[:, 2:3]
        y2c = blk[:, 3:4]

        def chunk_mask(start, mask):
            x1r = data_ref[0:1, pl.ds(start, _W)]
            y1r = data_ref[1:2, pl.ds(start, _W)]
            x2r = data_ref[2:3, pl.ds(start, _W)]
            y2r = data_ref[3:4, pl.ds(start, _W)]
            om = _overlap_mask(x1c, y1c, x2c, y2c, x1r, y1r, x2r, y2r)
            if mask is not None:
                om = om & mask
            return jnp.where(om, 1.0, 0.0)

        def apply_chunk(kfin, start, mf):
            supp = jax.lax.dot_general(
                kfin, mf, (((1,), (0,)), ((), ())),
                precision=jax.lax.Precision.HIGHEST,
                preferred_element_type=jnp.float32)
            cur = keep_ref[0:1, pl.ds(start, _W)]
            keep_ref[0:1, pl.ds(start, _W)] = jnp.where(
                supp > 0.5, 0.0, cur)

        mf0 = chunk_mask(base, tri)
        mintra = mf0[:, 0:_B]
        kinit = keep_ref[0:1, pl.ds(base, _B)]

        def step(k):
            supp = jax.lax.dot_general(
                k, mintra, (((1,), (0,)), ((), ())),
                precision=jax.lax.Precision.HIGHEST,
                preferred_element_type=jnp.float32)
            return jnp.where(supp > 0.5, 0.0, kinit)

        def cond(c):
            kp, k = c
            return jnp.any(kp != k)

        def body(c):
            _, k = c
            return (k, step(k))

        _, kfin = jax.lax.while_loop(cond, body, (kinit - 1.0, kinit))

        apply_chunk(kfin, base, mf0)
        nc = (np_ - base + _W - 1) // _W

        def chunk_step(c, _):
            start = base + c * _W
            apply_chunk(kfin, start, chunk_mask(start, None))
            return 0

        jax.lax.fori_loop(1, nc, chunk_step, 0)
        return 0

    jax.lax.fori_loop(0, nblk, block_step, 0)

    keep = keep_ref[0:1, 0:np_]
    count = jnp.sum(keep)
    c = keep
    s = 1
    while s < np_:
        shifted = jnp.concatenate(
            [jnp.zeros((1, s), jnp.float32), c[:, : np_ - s]], axis=1)
        c = c + shifted
        s *= 2
    sval = (jax.lax.broadcasted_iota(jnp.int32, (_MAX_OUT, 1), 0) + 1
            ).astype(jnp.float32)
    onehot = jnp.where((c == sval) & (keep > 0.5), 1.0, 0.0)

    vc = jnp.where(
        jax.lax.broadcasted_iota(jnp.int32, (_MAX_OUT, 1), 0).astype(
            jnp.float32) < count,
        1.0, 0.0)
    ordrow = ord_ref[...]
    pk = jnp.sum(onehot * ordrow[:, 0:np_], axis=1, keepdims=True)
    pk = jnp.where(vc > 0.5, pk, ordrow[0:1, 0:1])

    jorig = jax.lax.broadcasted_iota(jnp.int32, (_MAX_OUT, np_), 1).astype(
        jnp.float32)
    onehot2 = jnp.where((jorig == pk) & (vc > 0.5), 1.0, 0.0)
    dataU = dataU_ref[...]

    def gath2(row):
        return jnp.sum(onehot2 * row[:, 0:np_], axis=1, keepdims=True)

    out_ref[:, 0:1] = gath2(dataU[0:1, :])
    out_ref[:, 1:2] = gath2(dataU[1:2, :])
    out_ref[:, 2:3] = gath2(dataU[2:3, :])
    out_ref[:, 3:4] = gath2(dataU[3:4, :])
    out_ref[:, 4:5] = gath2(dataU[4:5, :])
    out_ref[:, 5:8] = jnp.zeros((_MAX_OUT, 3), jnp.float32)
    misc_ref[:, 0:1] = pk
    misc_ref[:, 1:2] = vc
    misc_ref[:, 2:8] = jnp.zeros((_MAX_OUT, 6), jnp.float32)


def _sc_permute(table, idx, rows, width):
    info = plsc.get_sparse_core_info()
    nw = info.num_cores * info.num_subcores
    b_per_w = rows // nw
    mesh = plsc.VectorSubcoreMesh(core_axis_name="c", subcore_axis_name="s")

    @functools.partial(
        pl.kernel, mesh=mesh,
        out_type=jax.ShapeDtypeStruct((rows, width), jnp.float32),
        scratch_types=[
            pltpu.VMEM((b_per_w,), jnp.int32),
            pltpu.VMEM((b_per_w, width), jnp.float32),
            pltpu.SemaphoreType.DMA,
        ],
    )
    def k(table_hbm, idx_hbm, out_hbm, idx_v, rows_v, sem):
        wid = lax.axis_index("s") * info.num_cores + lax.axis_index("c")
        base = wid * b_per_w
        pltpu.sync_copy(idx_hbm.at[pl.ds(base, b_per_w)], idx_v)
        pltpu.async_copy(table_hbm.at[idx_v], rows_v, sem).wait()
        pltpu.sync_copy(rows_v, out_hbm.at[pl.ds(base, b_per_w)])

    return k(table, idx)


def kernel(boxes, scores, idxs):
    n = boxes.shape[0]
    nblk = (n + _B - 1) // _B
    np_ = nblk * _B
    npad = np_ + _W

    max_coordinate = boxes.max()
    offsets = idxs.astype(boxes.dtype) * (max_coordinate + 1.0)
    boxes_for_nms = boxes + offsets[:, None]
    order = jnp.argsort(-scores)
    orderf = order.astype(jnp.float32)

    table = jnp.pad(boxes_for_nms, ((0, np_ - n), (0, 124)))
    ordi = jnp.pad(order.astype(jnp.int32), (0, np_ - n))
    bo = _sc_permute(table, ordi, np_, 128)

    pad = npad - n
    dataT = jnp.pad(bo[:, :4], ((0, _W), (0, 0)))
    data = dataT.T
    dataU = jnp.stack(
        [jnp.pad(boxes[:, 0], (0, pad)), jnp.pad(boxes[:, 1], (0, pad)),
         jnp.pad(boxes[:, 2], (0, pad)), jnp.pad(boxes[:, 3], (0, pad)),
         jnp.pad(scores, (0, pad))], axis=0)
    ordrow = jnp.pad(orderf, (0, pad))[None, :]

    out8, misc = pl.pallas_call(
        functools.partial(_nms_body, n, nblk, np_, npad),
        out_shape=[
            jax.ShapeDtypeStruct((_MAX_OUT, 8), jnp.float32),
            jax.ShapeDtypeStruct((_MAX_OUT, 8), jnp.float32),
        ],
        scratch_shapes=[pltpu.VMEM((1, npad), jnp.float32)],
    )(data, dataT, dataU, ordrow)

    out = out8[:, :5]
    picks = misc[:, 0].astype(jnp.int32)
    valid = misc[:, 1] > 0.5
    return out, picks, valid

# --- scband reference (transcript-rebuilt; emitter-appended) ---
"""Pipeline reference for scband-prcnn-71528385348277 (READ-ONLY COPY).

The authoritative reference and input builder live on the scoring server;
editing this copy changes nothing except your own understanding.
"""

import jax, jax.numpy as jnp
import numpy as np

IOU_THRESHOLD = 0.7
METHOD = "Min"
MAX_OUT = 256
N_BOXES = 5000
N_IMAGES = 16


def setup_inputs(seed: int = 0) -> dict:
    key = jax.random.key(seed)
    k1, k2, k3, k4, k5, k6 = jax.random.split(key, 6)
    N = N_BOXES
    x1 = jax.random.uniform(k1, (N,), minval=0.0, maxval=1000.0)
    y1 = jax.random.uniform(k2, (N,), minval=0.0, maxval=1000.0)
    w = jax.random.uniform(k3, (N,), minval=10.0, maxval=150.0)
    h = jax.random.uniform(k4, (N,), minval=10.0, maxval=150.0)
    boxes = jnp.stack([x1, y1, x1 + w, y1 + h], axis=1).astype(jnp.float32)
    scores = jax.random.uniform(k5, (N,), dtype=jnp.float32)
    idxs = jax.random.randint(k6, (N,), 0, N_IMAGES).astype(jnp.int64)
    return {"boxes": boxes, "scores": scores, "idxs": idxs}


def _nms_keep(boxes_for_nms, scores, iou_threshold, method, max_out):
    # Faithful greedy NMS (same math as nms_numpy: +1 area convention,
    # 'Min' overlap = inter / min(area_i, area_j), else IoU).
    N = boxes_for_nms.shape[0]
    order = jnp.argsort(-scores)  # descending score order (np code pops argsort(s)[-1])
    b = boxes_for_nms[order]
    x1, y1, x2, y2 = b[:, 0], b[:, 1], b[:, 2], b[:, 3]
    area = (x2 - x1 + 1.0) * (y2 - y1 + 1.0)
    xx1 = jnp.maximum(x1[:, None], x1[None, :])
    yy1 = jnp.maximum(y1[:, None], y1[None, :])
    xx2 = jnp.minimum(x2[:, None], x2[None, :])
    yy2 = jnp.minimum(y2[:, None], y2[None, :])
    w = jnp.maximum(0.0, xx2 - xx1 + 1.0)
    h = jnp.maximum(0.0, yy2 - yy1 + 1.0)
    inter = w * h
    if method == "Min":
        denom = jnp.minimum(area[:, None], area[None, :])
    else:
        denom = area[:, None] + area[None, :] - inter
    o = inter / denom
    ar = jnp.arange(N)

    def body(i, keep):
        # if box i (in sorted order) is still alive, it is picked and suppresses
        # every later box whose overlap with it exceeds the threshold
        suppress = keep[i] & (o[i] > iou_threshold) & (ar > i)
        return keep & (~suppress)

    keep = jax.lax.fori_loop(0, N, body, jnp.ones((N,), dtype=bool))
    count = jnp.sum(keep)
    pos = jnp.nonzero(keep, size=max_out, fill_value=0)[0]
    picks = order[pos]
    valid = jnp.arange(max_out) < count
    return picks, valid


def reference(boxes, scores, idxs):
    # batched_nms: offset boxes per image so cross-image boxes never overlap
    max_coordinate = boxes.max()
    offsets = idxs.astype(boxes.dtype) * (max_coordinate + 1.0)
    boxes_for_nms = boxes + offsets[:, None]
    picks, valid = _nms_keep(boxes_for_nms, scores, IOU_THRESHOLD, METHOD, MAX_OUT)
    out = jnp.concatenate([boxes[picks], scores[picks][:, None]], axis=1)
    out = out * valid[:, None].astype(out.dtype)
    return out, picks, valid

if __name__ == "__main__":
    import jax
    _d = setup_inputs()
    print(jax.jit(kernel)(*tuple(_d.values())))

</pallas_src>

<mosaic_0001>
#map = affine_map<(d0, d1) -> (0, 0)>
#map1 = affine_map<(d0, d1) -> (0)>
module attributes {stable_mosaic.version = 14 : i64} {
  func.func @k(%arg0: i32, %arg1: i32, %arg2: memref<5120x128xf32, #tpu.memory_space<hbm>>, %arg3: memref<5120xi32, #tpu.memory_space<hbm>>, %arg4: memref<5120x128xf32, #tpu.memory_space<hbm>>, %arg5: memref<160xi32, #tpu.memory_space<vmem>>, %arg6: memref<160x128xf32, #tpu.memory_space<vmem>>, %arg7: memref<!tpu.dma_semaphore, #tpu.memory_space<semaphore_mem>>) attributes {dimension_semantics = [#tpu.dimension_semantics<core_parallel>, #tpu.dimension_semantics<subcore_parallel>], iteration_bounds = array<i64: 2, 16>, scalar_prefetch = 0 : i64, scratch_operands = 3 : i64, tpu.core_type = #tpu.core_type<sc_vector_subcore>, window_params = [{transform_indices = #map}, {transform_indices = #map1}, {transform_indices = #map}]} {
    %mul3A = arith.constant 2 : i32
    %mul3A_0 = arith.muli %arg1, %mul3A : i32
    %add3A = arith.addi %mul3A_0, %arg0 : i32
    %mul3A_1 = arith.constant 160 : i32
    %mul3A_2 = arith.muli %add3A, %mul3A_1 : i32
    "tpu.region"() ({
      %run_scoped3A = tpu.sem_alloc : memref<!tpu.dma_semaphore, #tpu.memory_space<semaphore_mem>>
      %dma_start3A_7 = tpu.memref_slice %arg3[%mul3A_2] : memref<5120xi32, #tpu.memory_space<hbm>> -> memref<160xi32, #tpu.memory_space<hbm>>
      %dma_start3A_8 = tpu.memref_slice %arg3[%mul3A_2] : memref<5120xi32, #tpu.memory_space<hbm>> -> memref<160xi32, #tpu.memory_space<hbm>>
      tpu.enqueue_dma source(%dma_start3A_8 : memref<160xi32, #tpu.memory_space<hbm>>) target(%arg5 : memref<160xi32, #tpu.memory_space<vmem>>) target_semaphore(%run_scoped3A : memref<!tpu.dma_semaphore, #tpu.memory_space<semaphore_mem>>)
      %dma_wait3A_9 = tpu.memref_slice %arg3[%mul3A_2] : memref<5120xi32, #tpu.memory_space<hbm>> -> memref<160xi32, #tpu.memory_space<hbm>>
      %dma_wait3A_10 = tpu.memref_slice %arg3[%mul3A_2] : memref<5120xi32, #tpu.memory_space<hbm>> -> memref<160xi32, #tpu.memory_space<hbm>>
      tpu.wait_dma2 semaphore(%run_scoped3A : memref<!tpu.dma_semaphore, #tpu.memory_space<semaphore_mem>>) src(%dma_wait3A_10 : memref<160xi32, #tpu.memory_space<hbm>>) dst(%arg5 : memref<160xi32, #tpu.memory_space<vmem>>)
      tpu.yield
    }) : () -> ()
    %dma_start3A = arith.constant 0 : i32
    %dma_start3A_3 = arith.constant 0 : i32
    %dma_start3A_4 = tpu.memref_slice %arg2[%dma_start3A, %dma_start3A_3] : memref<5120x128xf32, #tpu.memory_space<hbm>> -> memref<5120x128xf32, #tpu.memory_space<hbm>>
    tpu.enqueue_indirect_dma source(%dma_start3A_4 : memref<5120x128xf32, #tpu.memory_space<hbm>>) target(%arg6 : memref<160x128xf32, #tpu.memory_space<vmem>>) offsets(%arg5 : memref<160xi32, #tpu.memory_space<vmem>>) semaphore(%arg7 : memref<!tpu.dma_semaphore, #tpu.memory_space<semaphore_mem>>)
    %dma_wait3A = arith.constant 0 : i32
    %dma_wait3A_5 = arith.constant 0 : i32
    %dma_wait3A_6 = tpu.memref_slice %arg2[%dma_wait3A, %dma_wait3A_5] : memref<5120x128xf32, #tpu.memory_space<hbm>> -> memref<5120x128xf32, #tpu.memory_space<hbm>>
    tpu.wait_indirect_dma semaphore(%arg7 : memref<!tpu.dma_semaphore, #tpu.memory_space<semaphore_mem>>) src(%dma_wait3A_6 : memref<5120x128xf32, #tpu.memory_space<hbm>>) dst(%arg6 : memref<160x128xf32, #tpu.memory_space<vmem>>)
    "tpu.region"() ({
      %run_scoped3A = tpu.sem_alloc : memref<!tpu.dma_semaphore, #tpu.memory_space<semaphore_mem>>
      %dma_start3A_7 = arith.constant 0 : i32
      %dma_start3A_8 = tpu.memref_slice %arg4[%mul3A_2, %dma_start3A_7] : memref<5120x128xf32, #tpu.memory_space<hbm>> -> memref<160x128xf32, #tpu.memory_space<hbm>>
      %dma_start3A_9 = arith.constant 0 : i32
      %dma_start3A_10 = tpu.memref_slice %arg4[%mul3A_2, %dma_start3A_9] : memref<5120x128xf32, #tpu.memory_space<hbm>> -> memref<160x128xf32, #tpu.memory_space<hbm>>
      tpu.enqueue_dma source(%arg6 : memref<160x128xf32, #tpu.memory_space<vmem>>) target(%dma_start3A_10 : memref<160x128xf32, #tpu.memory_space<hbm>>) target_semaphore(%run_scoped3A : memref<!tpu.dma_semaphore, #tpu.memory_space<semaphore_mem>>)
      %dma_wait3A_11 = arith.constant 0 : i32
      %dma_wait3A_12 = tpu.memref_slice %arg4[%mul3A_2, %dma_wait3A_11] : memref<5120x128xf32, #tpu.memory_space<hbm>> -> memref<160x128xf32, #tpu.memory_space<hbm>>
      %dma_wait3A_13 = arith.constant 0 : i32
      %dma_wait3A_14 = tpu.memref_slice %arg4[%mul3A_2, %dma_wait3A_13] : memref<5120x128xf32, #tpu.memory_space<hbm>> -> memref<160x128xf32, #tpu.memory_space<hbm>>
      tpu.wait_dma2 semaphore(%run_scoped3A : memref<!tpu.dma_semaphore, #tpu.memory_space<semaphore_mem>>) src(%arg6 : memref<160x128xf32, #tpu.memory_space<vmem>>) dst(%dma_wait3A_14 : memref<160x128xf32, #tpu.memory_space<hbm>>)
      tpu.yield
    }) : () -> ()
    return
  }
}

module attributes {stable_mosaic.version = 14 : i64} {
  func.func @_nms_body(%arg0: memref<4x6144xf32, #tpu.memory_space<vmem>>, %arg1: memref<6144x4xf32, #tpu.memory_space<vmem>>, %arg2: memref<5x6144xf32, #tpu.memory_space<vmem>>, %arg3: memref<1x6144xf32, #tpu.memory_space<vmem>>, %arg4: memref<256x8xf32, #tpu.memory_space<vmem>>, %arg5: memref<256x8xf32, #tpu.memory_space<vmem>>, %arg6: memref<1x6144xf32, #tpu.memory_space<vmem>>) attributes {dimension_semantics = [], scalar_prefetch = 0 : i64, scratch_operands = 1 : i64, tpu.core_type = #tpu.core_type<tc>} {
    %iota3A = tpu.iota {dimensions = array<i32: 1>} : vector<1x6144xi32>
    %lt3A = arith.constant 5000 : i32
    %lt3A_0 = vector.broadcast %lt3A : i32 to vector<1x6144xi32>
    %lt3A_1 = arith.cmpi slt, %iota3A, %lt3A_0 : vector<1x6144xi32>
    %jit3A = arith.constant 1.000000e+00 : f32
    %jit3A_2 = arith.constant 0.000000e+00 : f32
    %broadcast_in_dim3A = vector.broadcast %jit3A : f32 to vector<1x6144xf32>
    %broadcast_in_dim3A_3 = vector.broadcast %jit3A_2 : f32 to vector<1x6144xf32>
    %select_n3A = arith.select %lt3A_1, %broadcast_in_dim3A, %broadcast_in_dim3A_3 : vector<1x6144xi1>, vector<1x6144xf32>
    %swap3A = arith.constant 0 : index
    %swap3A_4 = arith.constant 0 : index
    %swap3A_5 = vector.load %arg6[%swap3A, %swap3A_4] : memref<1x6144xf32, #tpu.memory_space<vmem>>, vector<1x6144xf32>
    tpu.vector_store %arg6[%swap3A, %swap3A_4], %select_n3A {strides = array<i32>} : memref<1x6144xf32, #tpu.memory_space<vmem>>, vector<1x6144xf32>,
    %iota3A_6 = tpu.iota {dimensions = array<i32: 1>} : vector<128x1024xi32>
    %iota3A_7 = tpu.iota {dimensions = array<i32: 0>} : vector<128x1024xi32>
    %gt3A = arith.cmpi sgt, %iota3A_6, %iota3A_7 : vector<128x1024xi32>
    %scan3A = arith.constant 0 : i32
    %scan3A_8 = arith.constant 40 : i32
    %scan3A_9 = arith.addi %scan3A, %scan3A_8 : i32
    %scan3A_10 = arith.constant 1 : i32
    scf.for %scan3A_202 = %scan3A to %scan3A_9 step %scan3A_10  : i32 {
      %mul3A_203 = arith.constant 128 : i32
      %mul3A_204 = arith.muli %scan3A_202, %mul3A_203 : i32
      %get3A_205 = arith.index_cast %mul3A_204 : i32 to index
      %get3A_206 = arith.constant 0 : index
      %get3A_207 = vector.load %arg1[%get3A_205, %get3A_206] : memref<6144x4xf32, #tpu.memory_space<vmem>>, vector<128x4xf32>
      %slice3A_208 = vector.extract_strided_slice %get3A_207 {offsets = [0, 0], sizes = [128, 1], strides = [1, 1]} : vector<128x4xf32> to vector<128x1xf32>
      %slice3A_209 = vector.extract_strided_slice %get3A_207 {offsets = [0, 1], sizes = [128, 1], strides = [1, 1]} : vector<128x4xf32> to vector<128x1xf32>
      %slice3A_210 = vector.extract_strided_slice %get3A_207 {offsets = [0, 2], sizes = [128, 1], strides = [1, 1]} : vector<128x4xf32> to vector<128x1xf32>
      %slice3A_211 = vector.extract_strided_slice %get3A_207 {offsets = [0, 3], sizes = [128, 1], strides = [1, 1]} : vector<128x4xf32> to vector<128x1xf32>
      %get3A_212 = arith.constant 0 : index
      %get3A_213 = arith.index_cast %mul3A_204 : i32 to index
      %get3A_214 = vector.load %arg0[%get3A_212, %get3A_213] : memref<4x6144xf32, #tpu.memory_space<vmem>>, vector<1x1024xf32>
      %get3A_215 = arith.constant 1 : index
      %get3A_216 = arith.index_cast %mul3A_204 : i32 to index
      %get3A_217 = vector.load %arg0[%get3A_215, %get3A_216] : memref<4x6144xf32, #tpu.memory_space<vmem>>, vector<1x1024xf32>
      %get3A_218 = arith.constant 2 : index
      %get3A_219 = arith.index_cast %mul3A_204 : i32 to index
      %get3A_220 = vector.load %arg0[%get3A_218, %get3A_219] : memref<4x6144xf32, #tpu.memory_space<vmem>>, vector<1x1024xf32>
      %get3A_221 = arith.constant 3 : index
      %get3A_222 = arith.index_cast %mul3A_204 : i32 to index
      %get3A_223 = vector.load %arg0[%get3A_221, %get3A_222] : memref<4x6144xf32, #tpu.memory_space<vmem>>, vector<1x1024xf32>
      %sub3A = arith.subf %slice3A_210, %slice3A_208 : vector<128x1xf32>
      %add3A_224 = arith.constant 1.000000e+00 : f32
      %add3A_225 = vector.broadcast %add3A_224 : f32 to vector<128x1xf32>
      %add3A_226 = arith.addf %sub3A, %add3A_225 : vector<128x1xf32>
      %sub3A_227 = arith.subf %slice3A_211, %slice3A_209 : vector<128x1xf32>
      %add3A_228 = arith.constant 1.000000e+00 : f32
      %add3A_229 = vector.broadcast %add3A_228 : f32 to vector<128x1xf32>
      %add3A_230 = arith.addf %sub3A_227, %add3A_229 : vector<128x1xf32>
      %mul3A_231 = arith.mulf %add3A_226, %add3A_230 : vector<128x1xf32>
      %sub3A_232 = arith.subf %get3A_220, %get3A_214 : vector<1x1024xf32>
      %add3A_233 = arith.constant 1.000000e+00 : f32
      %add3A_234 = vector.broadcast %add3A_233 : f32 to vector<1x1024xf32>
      %add3A_235 = arith.addf %sub3A_232, %add3A_234 : vector<1x1024xf32>
      %sub3A_236 = arith.subf %get3A_223, %get3A_217 : vector<1x1024xf32>
      %add3A_237 = arith.constant 1.000000e+00 : f32
      %add3A_238 = vector.broadcast %add3A_237 : f32 to vector<1x1024xf32>
      %add3A_239 = arith.addf %sub3A_236, %add3A_238 : vector<1x1024xf32>
      %mul3A_240 = arith.mulf %add3A_235, %add3A_239 : vector<1x1024xf32>
      %max3A = vector.broadcast %slice3A_208 : vector<128x1xf32> to vector<128x1024xf32>
      %max3A_241 = vector.broadcast %get3A_214 : vector<1x1024xf32> to vector<128x1024xf32>
      %max3A_242 = arith.maximumf %max3A, %max3A_241 : vector<128x1024xf32>
      %max3A_243 = vector.broadcast %slice3A_209 : vector<128x1xf32> to vector<128x1024xf32>
      %max3A_244 = vector.broadcast %get3A_217 : vector<1x1024xf32> to vector<128x1024xf32>
      %max3A_245 = arith.maximumf %max3A_243, %max3A_244 : vector<128x1024xf32>
      %min3A = vector.broadcast %slice3A_210 : vector<128x1xf32> to vector<128x1024xf32>
      %min3A_246 = vector.broadcast %get3A_220 : vector<1x1024xf32> to vector<128x1024xf32>
      %min3A_247 = arith.minimumf %min3A, %min3A_246 : vector<128x1024xf32>
      %min3A_248 = vector.broadcast %slice3A_211 : vector<128x1xf32> to vector<128x1024xf32>
      %min3A_249 = vector.broadcast %get3A_223 : vector<1x1024xf32> to vector<128x1024xf32>
      %min3A_250 = arith.minimumf %min3A_248, %min3A_249 : vector<128x1024xf32>
      %sub3A_251 = arith.subf %min3A_247, %max3A_242 : vector<128x1024xf32>
      %add3A_252 = arith.constant 1.000000e+00 : f32
      %add3A_253 = vector.broadcast %add3A_252 : f32 to vector<128x1024xf32>
      %add3A_254 = arith.addf %sub3A_251, %add3A_253 : vector<128x1024xf32>
      %max3A_255 = arith.constant 0.000000e+00 : f32
      %max3A_256 = vector.broadcast %max3A_255 : f32 to vector<128x1024xf32>
      %max3A_257 = arith.maximumf %max3A_256, %add3A_254 : vector<128x1024xf32>
      %sub3A_258 = arith.subf %min3A_250, %max3A_245 : vector<128x1024xf32>
      %add3A_259 = arith.constant 1.000000e+00 : f32
      %add3A_260 = vector.broadcast %add3A_259 : f32 to vector<128x1024xf32>
      %add3A_261 = arith.addf %sub3A_258, %add3A_260 : vector<128x1024xf32>
      %max3A_262 = arith.constant 0.000000e+00 : f32
      %max3A_263 = vector.broadcast %max3A_262 : f32 to vector<128x1024xf32>
      %max3A_264 = arith.maximumf %max3A_263, %add3A_261 : vector<128x1024xf32>
      %mul3A_265 = arith.mulf %max3A_257, %max3A_264 : vector<128x1024xf32>
      %min3A_266 = vector.broadcast %mul3A_231 : vector<128x1xf32> to vector<128x1024xf32>
      %min3A_267 = vector.broadcast %mul3A_240 : vector<1x1024xf32> to vector<128x1024xf32>
      %min3A_268 = arith.minimumf %min3A_266, %min3A_267 : vector<128x1024xf32>
      %div3A = arith.divf %mul3A_265, %min3A_268 : vector<128x1024xf32>
      %gt3A_269 = arith.constant 0.699999988 : f32
      %gt3A_270 = vector.broadcast %gt3A_269 : f32 to vector<128x1024xf32>
      %gt3A_271 = arith.cmpf ogt, %div3A, %gt3A_270 : vector<128x1024xf32>
      %and3A_272 = arith.andi %gt3A_271, %gt3A : vector<128x1024xi1>
      %jit3A_273 = arith.constant 1.000000e+00 : f32
      %jit3A_274 = arith.constant 0.000000e+00 : f32
      %broadcast_in_dim3A_275 = vector.broadcast %jit3A_273 : f32 to vector<128x1024xf32>
      %broadcast_in_dim3A_276 = vector.broadcast %jit3A_274 : f32 to vector<128x1024xf32>
      %select_n3A_277 = arith.select %and3A_272, %broadcast_in_dim3A_275, %broadcast_in_dim3A_276 : vector<128x1024xi1>, vector<128x1024xf32>
      %slice3A_278 = vector.extract_strided_slice %select_n3A_277 {offsets = [0, 0], sizes = [128, 128], strides = [1, 1]} : vector<128x1024xf32> to vector<128x128xf32>
      %get3A_279 = arith.constant 0 : index
      %get3A_280 = arith.index_cast %mul3A_204 : i32 to index
      %get3A_281 = vector.load %arg6[%get3A_279, %get3A_280] : memref<1x6144xf32, #tpu.memory_space<vmem>>, vector<1x128xf32>
      %sub3A_282 = arith.constant 1.000000e+00 : f32
      %sub3A_283 = vector.broadcast %sub3A_282 : f32 to vector<1x128xf32>
      %sub3A_284 = arith.subf %get3A_281, %sub3A_283 : vector<1x128xf32>
      %while3A:2 = scf.while (%while3A_337 = %sub3A_284, %while3A_338 = %get3A_281) : (vector<1x128xf32>, vector<1x128xf32>) -> (vector<1x128xf32>, vector<1x128xf32>) {
        %ne3A_339 = arith.cmpf one, %while3A_337, %while3A_338 : vector<1x128xf32>
        %reduce_or3A = arith.constant 1.000000e+00 : f32
        %reduce_or3A_340 = arith.constant 0.000000e+00 : f32
        %reduce_or3A_341 = vector.broadcast %reduce_or3A : f32 to vector<1x128xf32>
        %reduce_or3A_342 = vector.broadcast %reduce_or3A_340 : f32 to vector<1x128xf32>
        %reduce_or3A_343 = arith.select %ne3A_339, %reduce_or3A_341, %reduce_or3A_342 : vector<1x128xi1>, vector<1x128xf32>
        %reduce_or3A_344 = vector.shape_cast %reduce_or3A_343 : vector<1x128xf32> to vector<1x1x128xf32>
        %reduce_or3A_345 = arith.constant dense<0xFF800000> : vector<1xf32>
        %reduce_or3A_346 = vector.multi_reduction <maximumf>, %reduce_or3A_344, %reduce_or3A_345 [1, 2] : vector<1x1x128xf32> to vector<1xf32>
        %reduce_or3A_347 = vector.shape_cast %reduce_or3A_346 : vector<1xf32> to vector<1x1x1xf32>
        %reduce_or3A_348 = vector.extract %reduce_or3A_347[0, 0, 0] : f32 from vector<1x1x1xf32>
        %reduce_or3A_349 = arith.constant 0.000000e+00 : f32
        %reduce_or3A_350 = arith.cmpf ogt, %reduce_or3A_348, %reduce_or3A_349 : f32
        scf.condition(%reduce_or3A_350) %while3A_337, %while3A_338 : vector<1x128xf32>, vector<1x128xf32>
      } do {
      ^bb0(%while3A_337: vector<1x128xf32>, %while3A_338: vector<1x128xf32>):
        %dot_general3A_339 = arith.constant dense<0.000000e+00> : vector<1x128xf32>
        %dot_general3A_340 = tpu.matmul %while3A_338, %slice3A_278, %dot_general3A_339 {dimension_numbers = #tpu.dot_dimension_numbers<[1], [0], [0], [1], [0, 0, 1, 1], [], []>, precision = #tpu.contract_precision<fp32>, transpose_lhs_hint = false} : vector<1x128xf32>, vector<128x128xf32>, vector<1x128xf32> -> vector<1x128xf32>
        %gt3A_341 = arith.constant 5.000000e-01 : f32
        %gt3A_342 = vector.broadcast %gt3A_341 : f32 to vector<1x128xf32>
        %gt3A_343 = arith.cmpf ogt, %dot_general3A_340, %gt3A_342 : vector<1x128xf32>
        %jit3A_344 = arith.constant 0.000000e+00 : f32
        %broadcast_in_dim3A_345 = vector.broadcast %jit3A_344 : f32 to vector<1x128xf32>
        %select_n3A_346 = arith.select %gt3A_343, %broadcast_in_dim3A_345, %get3A_281 : vector<1x128xi1>, vector<1x128xf32>
        scf.yield %while3A_338, %select_n3A_346 : vector<1x128xf32>, vector<1x128xf32>
      }
      %dot_general3A = arith.constant dense<0.000000e+00> : vector<1x1024xf32>
      %dot_general3A_285 = tpu.matmul %while3A#1, %select_n3A_277, %dot_general3A {dimension_numbers = #tpu.dot_dimension_numbers<[1], [0], [0], [1], [0, 0, 1, 1], [], []>, precision = #tpu.contract_precision<fp32>, transpose_lhs_hint = false} : vector<1x128xf32>, vector<128x1024xf32>, vector<1x1024xf32> -> vector<1x1024xf32>
      %get3A_286 = arith.constant 0 : index
      %get3A_287 = arith.index_cast %mul3A_204 : i32 to index
      %get3A_288 = vector.load %arg6[%get3A_286, %get3A_287] : memref<1x6144xf32, #tpu.memory_space<vmem>>, vector<1x1024xf32>
      %gt3A_289 = arith.constant 5.000000e-01 : f32
      %gt3A_290 = vector.broadcast %gt3A_289 : f32 to vector<1x1024xf32>
      %gt3A_291 = arith.cmpf ogt, %dot_general3A_285, %gt3A_290 : vector<1x1024xf32>
      %jit3A_292 = arith.constant 0.000000e+00 : f32
      %broadcast_in_dim3A_293 = vector.broadcast %jit3A_292 : f32 to vector<1x1024xf32>
      %select_n3A_294 = arith.select %gt3A_291, %broadcast_in_dim3A_293, %get3A_288 : vector<1x1024xi1>, vector<1x1024xf32>
      %swap3A_295 = arith.constant 0 : index
      %swap3A_296 = arith.index_cast %mul3A_204 : i32 to index
      %swap3A_297 = vector.load %arg6[%swap3A_295, %swap3A_296] : memref<1x6144xf32, #tpu.memory_space<vmem>>, vector<1x1024xf32>
      tpu.vector_store %arg6[%swap3A_295, %swap3A_296], %select_n3A_294 {strides = array<i32>} : memref<1x6144xf32, #tpu.memory_space<vmem>>, vector<1x1024xf32>,
      %sub3A_298 = arith.constant 5120 : i32
      %sub3A_299 = arith.subi %sub3A_298, %mul3A_204 : i32
      %add3A_300 = arith.constant 1024 : i32
      %add3A_301 = arith.addi %sub3A_299, %add3A_300 : i32
      %sub3A_302 = arith.constant 1 : i32
      %sub3A_303 = arith.subi %add3A_301, %sub3A_302 : i32
      %jit3A_304 = arith.constant 1024 : i32
      %div3A_305 = arith.divsi %sub3A_303, %jit3A_304 : i32
      %sign3A = arith.constant 0 : i32
      %sign3A_306 = arith.cmpi sgt, %sub3A_303, %sign3A : i32
      %sign3A_307 = arith.extui %sign3A_306 : i1 to i32
      %sign3A_308 = arith.constant 0 : i32
      %sign3A_309 = arith.cmpi slt, %sub3A_303, %sign3A_308 : i32
      %sign3A_310 = arith.extui %sign3A_309 : i1 to i32
      %sign3A_311 = arith.subi %sign3A_307, %sign3A_310 : i32
      %sign3A_312 = arith.constant 0 : i32
      %sign3A_313 = arith.cmpi sgt, %jit3A_304, %sign3A_312 : i32
      %sign3A_314 = arith.extui %sign3A_313 : i1 to i32
      %sign3A_315 = arith.constant 0 : i32
      %sign3A_316 = arith.cmpi slt, %jit3A_304, %sign3A_315 : i32
      %sign3A_317 = arith.extui %sign3A_316 : i1 to i32
      %sign3A_318 = arith.subi %sign3A_314, %sign3A_317 : i32
      %ne3A = arith.cmpi ne, %sign3A_311, %sign3A_318 : i32
      %rem3A = arith.remsi %sub3A_303, %jit3A_304 : i32
      %ne3A_319 = arith.constant 0 : i32
      %ne3A_320 = arith.cmpi ne, %rem3A, %ne3A_319 : i32
      %and3A_321 = arith.andi %ne3A, %ne3A_320 : i1
      %sub3A_322 = arith.constant 1 : i32
      %sub3A_323 = arith.subi %div3A_305, %sub3A_322 : i32
      %select_n3A_324 = arith.select %and3A_321, %sub3A_323, %div3A_305 : i32
      %while3A_325 = arith.constant 1 : i32
      %while3A_326 = arith.constant 0 : i32
      %while3A_327 = arith.subi %select_n3A_324, %while3A_325 : i32
      %while3A_328 = arith.addi %while3A_325, %while3A_327 : i32
      %while3A_329 = arith.constant 1 : i32
      %while3A_330 = arith.divsi %while3A_327, %while3A_329 : i32
      %while3A_331 = arith.muli %while3A_330, %while3A_329 : i32
      %while3A_332 = arith.addi %while3A_325, %while3A_331 : i32
      %while3A_333 = arith.constant 1 : i32
      %while3A_334 = scf.for %while3A_337 = %while3A_325 to %while3A_332 step %while3A_333 iter_args(%while3A_338 = %while3A_326) -> (i32)  : i32 {
        %mul3A_339 = arith.constant 1024 : i32
        %mul3A_340 = arith.muli %while3A_337, %mul3A_339 : i32
        %add3A_341 = arith.addi %mul3A_204, %mul3A_340 : i32
        %get3A_342 = arith.constant 0 : index
        %get3A_343 = arith.index_cast %add3A_341 : i32 to index
        %get3A_344 = vector.load %arg0[%get3A_342, %get3A_343] : memref<4x6144xf32, #tpu.memory_space<vmem>>, vector<1x1024xf32>
        %get3A_345 = arith.constant 1 : index
        %get3A_346 = arith.index_cast %add3A_341 : i32 to index
        %get3A_347 = vector.load %arg0[%get3A_345, %get3A_346] : memref<4x6144xf32, #tpu.memory_space<vmem>>, vector<1x1024xf32>
        %get3A_348 = arith.constant 2 : index
        %get3A_349 = arith.index_cast %add3A_341 : i32 to index
        %get3A_350 = vector.load %arg0[%get3A_348, %get3A_349] : memref<4x6144xf32, #tpu.memory_space<vmem>>, vector<1x1024xf32>
        %get3A_351 = arith.constant 3 : index
        %get3A_352 = arith.index_cast %add3A_341 : i32 to index
        %get3A_353 = vector.load %arg0[%get3A_351, %get3A_352] : memref<4x6144xf32, #tpu.memory_space<vmem>>, vector<1x1024xf32>
        %sub3A_354 = arith.subf %slice3A_210, %slice3A_208 : vector<128x1xf32>
        %add3A_355 = arith.constant 1.000000e+00 : f32
        %add3A_356 = vector.broadcast %add3A_355 : f32 to vector<128x1xf32>
        %add3A_357 = arith.addf %sub3A_354, %add3A_356 : vector<128x1xf32>
        %sub3A_358 = arith.subf %slice3A_211, %slice3A_209 : vector<128x1xf32>
        %add3A_359 = arith.constant 1.000000e+00 : f32
        %add3A_360 = vector.broadcast %add3A_359 : f32 to vector<128x1xf32>
        %add3A_361 = arith.addf %sub3A_358, %add3A_360 : vector<128x1xf32>
        %mul3A_362 = arith.mulf %add3A_357, %add3A_361 : vector<128x1xf32>
        %sub3A_363 = arith.subf %get3A_350, %get3A_344 : vector<1x1024xf32>
        %add3A_364 = arith.constant 1.000000e+00 : f32
        %add3A_365 = vector.broadcast %add3A_364 : f32 to vector<1x1024xf32>
        %add3A_366 = arith.addf %sub3A_363, %add3A_365 : vector<1x1024xf32>
        %sub3A_367 = arith.subf %get3A_353, %get3A_347 : vector<1x1024xf32>
        %add3A_368 = arith.constant 1.000000e+00 : f32
        %add3A_369 = vector.broadcast %add3A_368 : f32 to vector<1x1024xf32>
        %add3A_370 = arith.addf %sub3A_367, %add3A_369 : vector<1x1024xf32>
        %mul3A_371 = arith.mulf %add3A_366, %add3A_370 : vector<1x1024xf32>
        %max3A_372 = vector.broadcast %slice3A_208 : vector<128x1xf32> to vector<128x1024xf32>
        %max3A_373 = vector.broadcast %get3A_344 : vector<1x1024xf32> to vector<128x1024xf32>
        %max3A_374 = arith.maximumf %max3A_372, %max3A_373 : vector<128x1024xf32>
        %max3A_375 = vector.broadcast %slice3A_209 : vector<128x1xf32> to vector<128x1024xf32>
        %max3A_376 = vector.broadcast %get3A_347 : vector<1x1024xf32> to vector<128x1024xf32>
        %max3A_377 = arith.maximumf %max3A_375, %max3A_376 : vector<128x1024xf32>
        %min3A_378 = vector.broadcast %slice3A_210 : vector<128x1xf32> to vector<128x1024xf32>
        %min3A_379 = vector.broadcast %get3A_350 : vector<1x1024xf32> to vector<128x1024xf32>
        %min3A_380 = arith.minimumf %min3A_378, %min3A_379 : vector<128x1024xf32>
        %min3A_381 = vector.broadcast %slice3A_211 : vector<128x1xf32> to vector<128x1024xf32>
        %min3A_382 = vector.broadcast %get3A_353 : vector<1x1024xf32> to vector<128x1024xf32>
        %min3A_383 = arith.minimumf %min3A_381, %min3A_382 : vector<128x1024xf32>
        %sub3A_384 = arith.subf %min3A_380, %max3A_374 : vector<128x1024xf32>
        %add3A_385 = arith.constant 1.000000e+00 : f32
        %add3A_386 = vector.broadcast %add3A_385 : f32 to vector<128x1024xf32>
        %add3A_387 = arith.addf %sub3A_384, %add3A_386 : vector<128x1024xf32>
        %max3A_388 = arith.constant 0.000000e+00 : f32
        %max3A_389 = vector.broadcast %max3A_388 : f32 to vector<128x1024xf32>
        %max3A_390 = arith.maximumf %max3A_389, %add3A_387 : vector<128x1024xf32>
        %sub3A_391 = arith.subf %min3A_383, %max3A_377 : vector<128x1024xf32>
        %add3A_392 = arith.constant 1.000000e+00 : f32
        %add3A_393 = vector.broadcast %add3A_392 : f32 to vector<128x1024xf32>
        %add3A_394 = arith.addf %sub3A_391, %add3A_393 : vector<128x1024xf32>
        %max3A_395 = arith.constant 0.000000e+00 : f32
        %max3A_396 = vector.broadcast %max3A_395 : f32 to vector<128x1024xf32>
        %max3A_397 = arith.maximumf %max3A_396, %add3A_394 : vector<128x1024xf32>
        %mul3A_398 = arith.mulf %max3A_390, %max3A_397 : vector<128x1024xf32>
        %min3A_399 = vector.broadcast %mul3A_362 : vector<128x1xf32> to vector<128x1024xf32>
        %min3A_400 = vector.broadcast %mul3A_371 : vector<1x1024xf32> to vector<128x1024xf32>
        %min3A_401 = arith.minimumf %min3A_399, %min3A_400 : vector<128x1024xf32>
        %div3A_402 = arith.divf %mul3A_398, %min3A_401 : vector<128x1024xf32>
        %gt3A_403 = arith.constant 0.699999988 : f32
        %gt3A_404 = vector.broadcast %gt3A_403 : f32 to vector<128x1024xf32>
        %gt3A_405 = arith.cmpf ogt, %div3A_402, %gt3A_404 : vector<128x1024xf32>
        %jit3A_406 = arith.constant 1.000000e+00 : f32
        %jit3A_407 = arith.constant 0.000000e+00 : f32
        %broadcast_in_dim3A_408 = vector.broadcast %jit3A_406 : f32 to vector<128x1024xf32>
        %broadcast_in_dim3A_409 = vector.broadcast %jit3A_407 : f32 to vector<128x1024xf32>
        %select_n3A_410 = arith.select %gt3A_405, %broadcast_in_dim3A_408, %broadcast_in_dim3A_409 : vector<128x1024xi1>, vector<128x1024xf32>
        %dot_general3A_411 = arith.constant dense<0.000000e+00> : vector<1x1024xf32>
        %dot_general3A_412 = tpu.matmul %while3A#1, %select_n3A_410, %dot_general3A_411 {dimension_numbers = #tpu.dot_dimension_numbers<[1], [0], [0], [1], [0, 0, 1, 1], [], []>, precision = #tpu.contract_precision<fp32>, transpose_lhs_hint = false} : vector<1x128xf32>, vector<128x1024xf32>, vector<1x1024xf32> -> vector<1x1024xf32>
        %get3A_413 = arith.constant 0 : index
        %get3A_414 = arith.index_cast %add3A_341 : i32 to index
        %get3A_415 = vector.load %arg6[%get3A_413, %get3A_414] : memref<1x6144xf32, #tpu.memory_space<vmem>>, vector<1x1024xf32>
        %gt3A_416 = arith.constant 5.000000e-01 : f32
        %gt3A_417 = vector.broadcast %gt3A_416 : f32 to vector<1x1024xf32>
        %gt3A_418 = arith.cmpf ogt, %dot_general3A_412, %gt3A_417 : vector<1x1024xf32>
        %jit3A_419 = arith.constant 0.000000e+00 : f32
        %broadcast_in_dim3A_420 = vector.broadcast %jit3A_419 : f32 to vector<1x1024xf32>
        %select_n3A_421 = arith.select %gt3A_418, %broadcast_in_dim3A_420, %get3A_415 : vector<1x1024xi1>, vector<1x1024xf32>
        %swap3A_422 = arith.constant 0 : index
        %swap3A_423 = arith.index_cast %add3A_341 : i32 to index
        %swap3A_424 = vector.load %arg6[%swap3A_422, %swap3A_423] : memref<1x6144xf32, #tpu.memory_space<vmem>>, vector<1x1024xf32>
        tpu.vector_store %arg6[%swap3A_422, %swap3A_423], %select_n3A_421 {strides = array<i32>} : memref<1x6144xf32, #tpu.memory_space<vmem>>, vector<1x1024xf32>,
        %while3A_425 = arith.constant 0 : i32
        scf.yield %while3A_425 : i32
      }
      %while3A_335 = arith.constant 1 : i32
      %while3A_336 = scf.for %while3A_337 = %while3A_332 to %while3A_328 step %while3A_335 iter_args(%while3A_338 = %while3A_334) -> (i32)  : i32 {
        %mul3A_339 = arith.constant 1024 : i32
        %mul3A_340 = arith.muli %while3A_337, %mul3A_339 : i32
        %add3A_341 = arith.addi %mul3A_204, %mul3A_340 : i32
        %get3A_342 = arith.constant 0 : index
        %get3A_343 = arith.index_cast %add3A_341 : i32 to index
        %get3A_344 = vector.load %arg0[%get3A_342, %get3A_343] : memref<4x6144xf32, #tpu.memory_space<vmem>>, vector<1x1024xf32>
        %get3A_345 = arith.constant 1 : index
        %get3A_346 = arith.index_cast %add3A_341 : i32 to index
        %get3A_347 = vector.load %arg0[%get3A_345, %get3A_346] : memref<4x6144xf32, #tpu.memory_space<vmem>>, vector<1x1024xf32>
        %get3A_348 = arith.constant 2 : index
        %get3A_349 = arith.index_cast %add3A_341 : i32 to index
        %get3A_350 = vector.load %arg0[%get3A_348, %get3A_349] : memref<4x6144xf32, #tpu.memory_space<vmem>>, vector<1x1024xf32>
        %get3A_351 = arith.constant 3 : index
        %get3A_352 = arith.index_cast %add3A_341 : i32 to index
        %get3A_353 = vector.load %arg0[%get3A_351, %get3A_352] : memref<4x6144xf32, #tpu.memory_space<vmem>>, vector<1x1024xf32>
        %sub3A_354 = arith.subf %slice3A_210, %slice3A_208 : vector<128x1xf32>
        %add3A_355 = arith.constant 1.000000e+00 : f32
        %add3A_356 = vector.broadcast %add3A_355 : f32 to vector<128x1xf32>
        %add3A_357 = arith.addf %sub3A_354, %add3A_356 : vector<128x1xf32>
        %sub3A_358 = arith.subf %slice3A_211, %slice3A_209 : vector<128x1xf32>
        %add3A_359 = arith.constant 1.000000e+00 : f32
        %add3A_360 = vector.broadcast %add3A_359 : f32 to vector<128x1xf32>
        %add3A_361 = arith.addf %sub3A_358, %add3A_360 : vector<128x1xf32>
        %mul3A_362 = arith.mulf %add3A_357, %add3A_361 : vector<128x1xf32>
        %sub3A_363 = arith.subf %get3A_350, %get3A_344 : vector<1x1024xf32>
        %add3A_364 = arith.constant 1.000000e+00 : f32
        %add3A_365 = vector.broadcast %add3A_364 : f32 to vector<1x1024xf32>
        %add3A_366 = arith.addf %sub3A_363, %add3A_365 : vector<1x1024xf32>
        %sub3A_367 = arith.subf %get3A_353, %get3A_347 : vector<1x1024xf32>
        %add3A_368 = arith.constant 1.000000e+00 : f32
        %add3A_369 = vector.broadcast %add3A_368 : f32 to vector<1x1024xf32>
        %add3A_370 = arith.addf %sub3A_367, %add3A_369 : vector<1x1024xf32>
        %mul3A_371 = arith.mulf %add3A_366, %add3A_370 : vector<1x1024xf32>
        %max3A_372 = vector.broadcast %slice3A_208 : vector<128x1xf32> to vector<128x1024xf32>
        %max3A_373 = vector.broadcast %get3A_344 : vector<1x1024xf32> to vector<128x1024xf32>
        %max3A_374 = arith.maximumf %max3A_372, %max3A_373 : vector<128x1024xf32>
        %max3A_375 = vector.broadcast %slice3A_209 : vector<128x1xf32> to vector<128x1024xf32>
        %max3A_376 = vector.broadcast %get3A_347 : vector<1x1024xf32> to vector<128x1024xf32>
        %max3A_377 = arith.maximumf %max3A_375, %max3A_376 : vector<128x1024xf32>
        %min3A_378 = vector.broadcast %slice3A_210 : vector<128x1xf32> to vector<128x1024xf32>
        %min3A_379 = vector.broadcast %get3A_350 : vector<1x1024xf32> to vector<128x1024xf32>
        %min3A_380 = arith.minimumf %min3A_378, %min3A_379 : vector<128x1024xf32>
        %min3A_381 = vector.broadcast %slice3A_211 : vector<128x1xf32> to vector<128x1024xf32>
        %min3A_382 = vector.broadcast %get3A_353 : vector<1x1024xf32> to vector<128x1024xf32>
        %min3A_383 = arith.minimumf %min3A_381, %min3A_382 : vector<128x1024xf32>
        %sub3A_384 = arith.subf %min3A_380, %max3A_374 : vector<128x1024xf32>
        %add3A_385 = arith.constant 1.000000e+00 : f32
        %add3A_386 = vector.broadcast %add3A_385 : f32 to vector<128x1024xf32>
        %add3A_387 = arith.addf %sub3A_384, %add3A_386 : vector<128x1024xf32>
        %max3A_388 = arith.constant 0.000000e+00 : f32
        %max3A_389 = vector.broadcast %max3A_388 : f32 to vector<128x1024xf32>
        %max3A_390 = arith.maximumf %max3A_389, %add3A_387 : vector<128x1024xf32>
        %sub3A_391 = arith.subf %min3A_383, %max3A_377 : vector<128x1024xf32>
        %add3A_392 = arith.constant 1.000000e+00 : f32
        %add3A_393 = vector.broadcast %add3A_392 : f32 to vector<128x1024xf32>
        %add3A_394 = arith.addf %sub3A_391, %add3A_393 : vector<128x1024xf32>
        %max3A_395 = arith.constant 0.000000e+00 : f32
        %max3A_396 = vector.broadcast %max3A_395 : f32 to vector<128x1024xf32>
        %max3A_397 = arith.maximumf %max3A_396, %add3A_394 : vector<128x1024xf32>
        %mul3A_398 = arith.mulf %max3A_390, %max3A_397 : vector<128x1024xf32>
        %min3A_399 = vector.broadcast %mul3A_362 : vector<128x1xf32> to vector<128x1024xf32>
        %min3A_400 = vector.broadcast %mul3A_371 : vector<1x1024xf32> to vector<128x1024xf32>
        %min3A_401 = arith.minimumf %min3A_399, %min3A_400 : vector<128x1024xf32>
        %div3A_402 = arith.divf %mul3A_398, %min3A_401 : vector<128x1024xf32>
        %gt3A_403 = arith.constant 0.699999988 : f32
        %gt3A_404 = vector.broadcast %gt3A_403 : f32 to vector<128x1024xf32>
        %gt3A_405 = arith.cmpf ogt, %div3A_402, %gt3A_404 : vector<128x1024xf32>
        %jit3A_406 = arith.constant 1.000000e+00 : f32
        %jit3A_407 = arith.constant 0.000000e+00 : f32
        %broadcast_in_dim3A_408 = vector.broadcast %jit3A_406 : f32 to vector<128x1024xf32>
        %broadcast_in_dim3A_409 = vector.broadcast %jit3A_407 : f32 to vector<128x1024xf32>
        %select_n3A_410 = arith.select %gt3A_405, %broadcast_in_dim3A_408, %broadcast_in_dim3A_409 : vector<128x1024xi1>, vector<128x1024xf32>
        %dot_general3A_411 = arith.constant dense<0.000000e+00> : vector<1x1024xf32>
        %dot_general3A_412 = tpu.matmul %while3A#1, %select_n3A_410, %dot_general3A_411 {dimension_numbers = #tpu.dot_dimension_numbers<[1], [0], [0], [1], [0, 0, 1, 1], [], []>, precision = #tpu.contract_precision<fp32>, transpose_lhs_hint = false} : vector<1x128xf32>, vector<128x1024xf32>, vector<1x1024xf32> -> vector<1x1024xf32>
        %get3A_413 = arith.constant 0 : index
        %get3A_414 = arith.index_cast %add3A_341 : i32 to index
        %get3A_415 = vector.load %arg6[%get3A_413, %get3A_414] : memref<1x6144xf32, #tpu.memory_space<vmem>>, vector<1x1024xf32>
        %gt3A_416 = arith.constant 5.000000e-01 : f32
        %gt3A_417 = vector.broadcast %gt3A_416 : f32 to vector<1x1024xf32>
        %gt3A_418 = arith.cmpf ogt, %dot_general3A_412, %gt3A_417 : vector<1x1024xf32>
        %jit3A_419 = arith.constant 0.000000e+00 : f32
        %broadcast_in_dim3A_420 = vector.broadcast %jit3A_419 : f32 to vector<1x1024xf32>
        %select_n3A_421 = arith.select %gt3A_418, %broadcast_in_dim3A_420, %get3A_415 : vector<1x1024xi1>, vector<1x1024xf32>
        %swap3A_422 = arith.constant 0 : index
        %swap3A_423 = arith.index_cast %add3A_341 : i32 to index
        %swap3A_424 = vector.load %arg6[%swap3A_422, %swap3A_423] : memref<1x6144xf32, #tpu.memory_space<vmem>>, vector<1x1024xf32>
        tpu.vector_store %arg6[%swap3A_422, %swap3A_423], %select_n3A_421 {strides = array<i32>} : memref<1x6144xf32, #tpu.memory_space<vmem>>, vector<1x1024xf32>,
        %while3A_425 = arith.constant 0 : i32
        scf.yield %while3A_425 : i32
      }
    }
    %scan3A_11 = arith.constant 40 : i32
    %get3A = arith.constant 0 : index
    %get3A_12 = arith.constant 0 : index
    %get3A_13 = vector.load %arg6[%get3A, %get3A_12] : memref<1x6144xf32, #tpu.memory_space<vmem>>, vector<1x5120xf32>
    %reduce_sum3A = vector.shape_cast %get3A_13 : vector<1x5120xf32> to vector<1x1x5120xf32>
    %reduce_sum3A_14 = arith.constant dense<0.000000e+00> : vector<1xf32>
    %reduce_sum3A_15 = vector.multi_reduction <add>, %reduce_sum3A, %reduce_sum3A_14 [1, 2] : vector<1x1x5120xf32> to vector<1xf32>
    %reduce_sum3A_16 = vector.shape_cast %reduce_sum3A_15 : vector<1xf32> to vector<1x1x1xf32>
    %reduce_sum3A_17 = vector.extract %reduce_sum3A_16[0, 0, 0] : f32 from vector<1x1x1xf32>
    %broadcast_in_dim3A_18 = arith.constant 0.000000e+00 : f32
    %broadcast_in_dim3A_19 = vector.broadcast %broadcast_in_dim3A_18 : f32 to vector<1x1xf32>
    %slice3A = vector.extract_strided_slice %get3A_13 {offsets = [0, 0], sizes = [1, 5119], strides = [1, 1]} : vector<1x5120xf32> to vector<1x5119xf32>
    %concatenate3A = tpu.concatenate %broadcast_in_dim3A_19, %slice3A in 1 : vector<1x1xf32>, vector<1x5119xf32> -> vector<1x5120xf32>
    %add3A = arith.addf %get3A_13, %concatenate3A : vector<1x5120xf32>
    %broadcast_in_dim3A_20 = arith.constant 0.000000e+00 : f32
    %broadcast_in_dim3A_21 = vector.broadcast %broadcast_in_dim3A_20 : f32 to vector<1x2xf32>
    %slice3A_22 = vector.extract_strided_slice %add3A {offsets = [0, 0], sizes = [1, 5118], strides = [1, 1]} : vector<1x5120xf32> to vector<1x5118xf32>
    %concatenate3A_23 = tpu.concatenate %broadcast_in_dim3A_21, %slice3A_22 in 1 : vector<1x2xf32>, vector<1x5118xf32> -> vector<1x5120xf32>
    %add3A_24 = arith.addf %add3A, %concatenate3A_23 : vector<1x5120xf32>
    %broadcast_in_dim3A_25 = arith.constant 0.000000e+00 : f32
    %broadcast_in_dim3A_26 = vector.broadcast %broadcast_in_dim3A_25 : f32 to vector<1x4xf32>
    %slice3A_27 = vector.extract_strided_slice %add3A_24 {offsets = [0, 0], sizes = [1, 5116], strides = [1, 1]} : vector<1x5120xf32> to vector<1x5116xf32>
    %concatenate3A_28 = tpu.concatenate %broadcast_in_dim3A_26, %slice3A_27 in 1 : vector<1x4xf32>, vector<1x5116xf32> -> vector<1x5120xf32>
    %add3A_29 = arith.addf %add3A_24, %concatenate3A_28 : vector<1x5120xf32>
    %broadcast_in_dim3A_30 = arith.constant 0.000000e+00 : f32
    %broadcast_in_dim3A_31 = vector.broadcast %broadcast_in_dim3A_30 : f32 to vector<1x8xf32>
    %slice3A_32 = vector.extract_strided_slice %add3A_29 {offsets = [0, 0], sizes = [1, 5112], strides = [1, 1]} : vector<1x5120xf32> to vector<1x5112xf32>
    %concatenate3A_33 = tpu.concatenate %broadcast_in_dim3A_31, %slice3A_32 in 1 : vector<1x8xf32>, vector<1x5112xf32> -> vector<1x5120xf32>
    %add3A_34 = arith.addf %add3A_29, %concatenate3A_33 : vector<1x5120xf32>
    %broadcast_in_dim3A_35 = arith.constant 0.000000e+00 : f32
    %broadcast_in_dim3A_36 = vector.broadcast %broadcast_in_dim3A_35 : f32 to vector<1x16xf32>
    %slice3A_37 = vector.extract_strided_slice %add3A_34 {offsets = [0, 0], sizes = [1, 5104], strides = [1, 1]} : vector<1x5120xf32> to vector<1x5104xf32>
    %concatenate3A_38 = tpu.concatenate %broadcast_in_dim3A_36, %slice3A_37 in 1 : vector<1x16xf32>, vector<1x5104xf32> -> vector<1x5120xf32>
    %add3A_39 = arith.addf %add3A_34, %concatenate3A_38 : vector<1x5120xf32>
    %broadcast_in_dim3A_40 = arith.constant 0.000000e+00 : f32
    %broadcast_in_dim3A_41 = vector.broadcast %broadcast_in_dim3A_40 : f32 to vector<1x32xf32>
    %slice3A_42 = vector.extract_strided_slice %add3A_39 {offsets = [0, 0], sizes = [1, 5088], strides = [1, 1]} : vector<1x5120xf32> to vector<1x5088xf32>
    %concatenate3A_43 = tpu.concatenate %broadcast_in_dim3A_41, %slice3A_42 in 1 : vector<1x32xf32>, vector<1x5088xf32> -> vector<1x5120xf32>
    %add3A_44 = arith.addf %add3A_39, %concatenate3A_43 : vector<1x5120xf32>
    %broadcast_in_dim3A_45 = arith.constant 0.000000e+00 : f32
    %broadcast_in_dim3A_46 = vector.broadcast %broadcast_in_dim3A_45 : f32 to vector<1x64xf32>
    %slice3A_47 = vector.extract_strided_slice %add3A_44 {offsets = [0, 0], sizes = [1, 5056], strides = [1, 1]} : vector<1x5120xf32> to vector<1x5056xf32>
    %concatenate3A_48 = tpu.concatenate %broadcast_in_dim3A_46, %slice3A_47 in 1 : vector<1x64xf32>, vector<1x5056xf32> -> vector<1x5120xf32>
    %add3A_49 = arith.addf %add3A_44, %concatenate3A_48 : vector<1x5120xf32>
    %broadcast_in_dim3A_50 = arith.constant 0.000000e+00 : f32
    %broadcast_in_dim3A_51 = vector.broadcast %broadcast_in_dim3A_50 : f32 to vector<1x128xf32>
    %slice3A_52 = vector.extract_strided_slice %add3A_49 {offsets = [0, 0], sizes = [1, 4992], strides = [1, 1]} : vector<1x5120xf32> to vector<1x4992xf32>
    %concatenate3A_53 = tpu.concatenate %broadcast_in_dim3A_51, %slice3A_52 in 1 : vector<1x128xf32>, vector<1x4992xf32> -> vector<1x5120xf32>
    %add3A_54 = arith.addf %add3A_49, %concatenate3A_53 : vector<1x5120xf32>
    %broadcast_in_dim3A_55 = arith.constant 0.000000e+00 : f32
    %broadcast_in_dim3A_56 = vector.broadcast %broadcast_in_dim3A_55 : f32 to vector<1x256xf32>
    %slice3A_57 = vector.extract_strided_slice %add3A_54 {offsets = [0, 0], sizes = [1, 4864], strides = [1, 1]} : vector<1x5120xf32> to vector<1x4864xf32>
    %concatenate3A_58 = tpu.concatenate %broadcast_in_dim3A_56, %slice3A_57 in 1 : vector<1x256xf32>, vector<1x4864xf32> -> vector<1x5120xf32>
    %add3A_59 = arith.addf %add3A_54, %concatenate3A_58 : vector<1x5120xf32>
    %broadcast_in_dim3A_60 = arith.constant 0.000000e+00 : f32
    %broadcast_in_dim3A_61 = vector.broadcast %broadcast_in_dim3A_60 : f32 to vector<1x512xf32>
    %slice3A_62 = vector.extract_strided_slice %add3A_59 {offsets = [0, 0], sizes = [1, 4608], strides = [1, 1]} : vector<1x5120xf32> to vector<1x4608xf32>
    %concatenate3A_63 = tpu.concatenate %broadcast_in_dim3A_61, %slice3A_62 in 1 : vector<1x512xf32>, vector<1x4608xf32> -> vector<1x5120xf32>
    %add3A_64 = arith.addf %add3A_59, %concatenate3A_63 : vector<1x5120xf32>
    %broadcast_in_dim3A_65 = arith.constant 0.000000e+00 : f32
    %broadcast_in_dim3A_66 = vector.broadcast %broadcast_in_dim3A_65 : f32 to vector<1x1024xf32>
    %slice3A_67 = vector.extract_strided_slice %add3A_64 {offsets = [0, 0], sizes = [1, 4096], strides = [1, 1]} : vector<1x5120xf32> to vector<1x4096xf32>
    %concatenate3A_68 = tpu.concatenate %broadcast_in_dim3A_66, %slice3A_67 in 1 : vector<1x1024xf32>, vector<1x4096xf32> -> vector<1x5120xf32>
    %add3A_69 = arith.addf %add3A_64, %concatenate3A_68 : vector<1x5120xf32>
    %broadcast_in_dim3A_70 = arith.constant 0.000000e+00 : f32
    %broadcast_in_dim3A_71 = vector.broadcast %broadcast_in_dim3A_70 : f32 to vector<1x2048xf32>
    %slice3A_72 = vector.extract_strided_slice %add3A_69 {offsets = [0, 0], sizes = [1, 3072], strides = [1, 1]} : vector<1x5120xf32> to vector<1x3072xf32>
    %concatenate3A_73 = tpu.concatenate %broadcast_in_dim3A_71, %slice3A_72 in 1 : vector<1x2048xf32>, vector<1x3072xf32> -> vector<1x5120xf32>
    %add3A_74 = arith.addf %add3A_69, %concatenate3A_73 : vector<1x5120xf32>
    %broadcast_in_dim3A_75 = arith.constant 0.000000e+00 : f32
    %broadcast_in_dim3A_76 = vector.broadcast %broadcast_in_dim3A_75 : f32 to vector<1x4096xf32>
    %slice3A_77 = vector.extract_strided_slice %add3A_74 {offsets = [0, 0], sizes = [1, 1024], strides = [1, 1]} : vector<1x5120xf32> to vector<1x1024xf32>
    %concatenate3A_78 = tpu.concatenate %broadcast_in_dim3A_76, %slice3A_77 in 1 : vector<1x4096xf32>, vector<1x1024xf32> -> vector<1x5120xf32>
    %add3A_79 = arith.addf %add3A_74, %concatenate3A_78 : vector<1x5120xf32>
    %iota3A_80 = tpu.iota {dimensions = array<i32: 0>} : vector<256x1xi32>
    %add3A_81 = arith.constant 1 : i32
    %add3A_82 = vector.broadcast %add3A_81 : i32 to vector<256x1xi32>
    %add3A_83 = arith.addi %iota3A_80, %add3A_82 : vector<256x1xi32>
    %convert_element_type3A = arith.sitofp %add3A_83 : vector<256x1xi32> to vector<256x1xf32>
    %eq3A = vector.broadcast %add3A_79 : vector<1x5120xf32> to vector<256x5120xf32>
    %eq3A_84 = vector.broadcast %convert_element_type3A : vector<256x1xf32> to vector<256x5120xf32>
    %eq3A_85 = arith.cmpf oeq, %eq3A, %eq3A_84 : vector<256x5120xf32>
    %gt3A_86 = arith.constant 5.000000e-01 : f32
    %gt3A_87 = vector.broadcast %gt3A_86 : f32 to vector<1x5120xf32>
    %gt3A_88 = arith.cmpf ogt, %get3A_13, %gt3A_87 : vector<1x5120xf32>
    %and3A = vector.broadcast %gt3A_88 : vector<1x5120xi1> to vector<256x5120xi1>
    %and3A_89 = arith.andi %eq3A_85, %and3A : vector<256x5120xi1>
    %jit3A_90 = arith.constant 1.000000e+00 : f32
    %jit3A_91 = arith.constant 0.000000e+00 : f32
    %broadcast_in_dim3A_92 = vector.broadcast %jit3A_90 : f32 to vector<256x5120xf32>
    %broadcast_in_dim3A_93 = vector.broadcast %jit3A_91 : f32 to vector<256x5120xf32>
    %select_n3A_94 = arith.select %and3A_89, %broadcast_in_dim3A_92, %broadcast_in_dim3A_93 : vector<256x5120xi1>, vector<256x5120xf32>
    %iota3A_95 = tpu.iota {dimensions = array<i32: 0>} : vector<256x1xi32>
    %convert_element_type3A_96 = arith.sitofp %iota3A_95 : vector<256x1xi32> to vector<256x1xf32>
    %lt3A_97 = vector.broadcast %reduce_sum3A_17 : f32 to vector<256x1xf32>
    %lt3A_98 = arith.cmpf olt, %convert_element_type3A_96, %lt3A_97 : vector<256x1xf32>
    %jit3A_99 = arith.constant 1.000000e+00 : f32
    %jit3A_100 = arith.constant 0.000000e+00 : f32
    %broadcast_in_dim3A_101 = vector.broadcast %jit3A_99 : f32 to vector<256x1xf32>
    %broadcast_in_dim3A_102 = vector.broadcast %jit3A_100 : f32 to vector<256x1xf32>
    %select_n3A_103 = arith.select %lt3A_98, %broadcast_in_dim3A_101, %broadcast_in_dim3A_102 : vector<256x1xi1>, vector<256x1xf32>
    %get3A_104 = arith.constant 0 : index
    %get3A_105 = arith.constant 0 : index
    %get3A_106 = vector.load %arg3[%get3A_104, %get3A_105] : memref<1x6144xf32, #tpu.memory_space<vmem>>, vector<1x6144xf32>
    %slice3A_107 = vector.extract_strided_slice %get3A_106 {offsets = [0, 0], sizes = [1, 5120], strides = [1, 1]} : vector<1x6144xf32> to vector<1x5120xf32>
    %mul3A = vector.broadcast %slice3A_107 : vector<1x5120xf32> to vector<256x5120xf32>
    %mul3A_108 = arith.mulf %select_n3A_94, %mul3A : vector<256x5120xf32>
    %reduce_sum3A_109 = arith.constant dense<0.000000e+00> : vector<256xf32>
    %reduce_sum3A_110 = vector.multi_reduction <add>, %mul3A_108, %reduce_sum3A_109 [1] : vector<256x5120xf32> to vector<256xf32>
    %broadcast_in_dim3A_111 = vector.shape_cast %reduce_sum3A_110 : vector<256xf32> to vector<256x1xf32>
    %gt3A_112 = arith.constant 5.000000e-01 : f32
    %gt3A_113 = vector.broadcast %gt3A_112 : f32 to vector<256x1xf32>
    %gt3A_114 = arith.cmpf ogt, %select_n3A_103, %gt3A_113 : vector<256x1xf32>
    %slice3A_115 = vector.extract_strided_slice %get3A_106 {offsets = [0, 0], sizes = [1, 1], strides = [1, 1]} : vector<1x6144xf32> to vector<1x1xf32>
    %broadcast_in_dim3A_116 = vector.shape_cast %slice3A_115 : vector<1x1xf32> to vector<1x1xf32>
    %broadcast_in_dim3A_117 = vector.broadcast %broadcast_in_dim3A_116 : vector<1x1xf32> to vector<256x1xf32>
    %select_n3A_118 = arith.select %gt3A_114, %broadcast_in_dim3A_111, %broadcast_in_dim3A_117 : vector<256x1xi1>, vector<256x1xf32>
    %iota3A_119 = tpu.iota {dimensions = array<i32: 1>} : vector<256x5120xi32>
    %convert_element_type3A_120 = arith.sitofp %iota3A_119 : vector<256x5120xi32> to vector<256x5120xf32>
    %eq3A_121 = vector.broadcast %select_n3A_118 : vector<256x1xf32> to vector<256x5120xf32>
    %eq3A_122 = arith.cmpf oeq, %convert_element_type3A_120, %eq3A_121 : vector<256x5120xf32>
    %gt3A_123 = arith.constant 5.000000e-01 : f32
    %gt3A_124 = vector.broadcast %gt3A_123 : f32 to vector<256x1xf32>
    %gt3A_125 = arith.cmpf ogt, %select_n3A_103, %gt3A_124 : vector<256x1xf32>
    %and3A_126 = vector.broadcast %gt3A_125 : vector<256x1xi1> to vector<256x5120xi1>
    %and3A_127 = arith.andi %eq3A_122, %and3A_126 : vector<256x5120xi1>
    %jit3A_128 = arith.constant 1.000000e+00 : f32
    %jit3A_129 = arith.constant 0.000000e+00 : f32
    %broadcast_in_dim3A_130 = vector.broadcast %jit3A_128 : f32 to vector<256x5120xf32>
    %broadcast_in_dim3A_131 = vector.broadcast %jit3A_129 : f32 to vector<256x5120xf32>
    %select_n3A_132 = arith.select %and3A_127, %broadcast_in_dim3A_130, %broadcast_in_dim3A_131 : vector<256x5120xi1>, vector<256x5120xf32>
    %get3A_133 = arith.constant 0 : index
    %get3A_134 = arith.constant 0 : index
    %get3A_135 = vector.load %arg2[%get3A_133, %get3A_134] : memref<5x6144xf32, #tpu.memory_space<vmem>>, vector<5x6144xf32>
    %slice3A_136 = vector.extract_strided_slice %get3A_135 {offsets = [0, 0], sizes = [1, 6144], strides = [1, 1]} : vector<5x6144xf32> to vector<1x6144xf32>
    %slice3A_137 = vector.extract_strided_slice %slice3A_136 {offsets = [0, 0], sizes = [1, 5120], strides = [1, 1]} : vector<1x6144xf32> to vector<1x5120xf32>
    %mul3A_138 = vector.broadcast %slice3A_137 : vector<1x5120xf32> to vector<256x5120xf32>
    %mul3A_139 = arith.mulf %select_n3A_132, %mul3A_138 : vector<256x5120xf32>
    %reduce_sum3A_140 = arith.constant dense<0.000000e+00> : vector<256xf32>
    %reduce_sum3A_141 = vector.multi_reduction <add>, %mul3A_139, %reduce_sum3A_140 [1] : vector<256x5120xf32> to vector<256xf32>
    %broadcast_in_dim3A_142 = vector.shape_cast %reduce_sum3A_141 : vector<256xf32> to vector<256x1xf32>
    %swap3A_143 = arith.constant 0 : index
    %swap3A_144 = arith.constant 0 : index
    %swap3A_145 = vector.load %arg4[%swap3A_143, %swap3A_144] : memref<256x8xf32, #tpu.memory_space<vmem>>, vector<256x1xf32>
    tpu.vector_store %arg4[%swap3A_143, %swap3A_144], %broadcast_in_dim3A_142 {strides = array<i32>} : memref<256x8xf32, #tpu.memory_space<vmem>>, vector<256x1xf32>,
    %slice3A_146 = vector.extract_strided_slice %get3A_135 {offsets = [1, 0], sizes = [1, 6144], strides = [1, 1]} : vector<5x6144xf32> to vector<1x6144xf32>
    %slice3A_147 = vector.extract_strided_slice %slice3A_146 {offsets = [0, 0], sizes = [1, 5120], strides = [1, 1]} : vector<1x6144xf32> to vector<1x5120xf32>
    %mul3A_148 = vector.broadcast %slice3A_147 : vector<1x5120xf32> to vector<256x5120xf32>
    %mul3A_149 = arith.mulf %select_n3A_132, %mul3A_148 : vector<256x5120xf32>
    %reduce_sum3A_150 = arith.constant dense<0.000000e+00> : vector<256xf32>
    %reduce_sum3A_151 = vector.multi_reduction <add>, %mul3A_149, %reduce_sum3A_150 [1] : vector<256x5120xf32> to vector<256xf32>
    %broadcast_in_dim3A_152 = vector.shape_cast %reduce_sum3A_151 : vector<256xf32> to vector<256x1xf32>
    %swap3A_153 = arith.constant 0 : index
    %swap3A_154 = arith.constant 1 : index
    %swap3A_155 = vector.load %arg4[%swap3A_153, %swap3A_154] : memref<256x8xf32, #tpu.memory_space<vmem>>, vector<256x1xf32>
    tpu.vector_store %arg4[%swap3A_153, %swap3A_154], %broadcast_in_dim3A_152 {strides = array<i32>} : memref<256x8xf32, #tpu.memory_space<vmem>>, vector<256x1xf32>,
    %slice3A_156 = vector.extract_strided_slice %get3A_135 {offsets = [2, 0], sizes = [1, 6144], strides = [1, 1]} : vector<5x6144xf32> to vector<1x6144xf32>
    %slice3A_157 = vector.extract_strided_slice %slice3A_156 {offsets = [0, 0], sizes = [1, 5120], strides = [1, 1]} : vector<1x6144xf32> to vector<1x5120xf32>
    %mul3A_158 = vector.broadcast %slice3A_157 : vector<1x5120xf32> to vector<256x5120xf32>
    %mul3A_159 = arith.mulf %select_n3A_132, %mul3A_158 : vector<256x5120xf32>
    %reduce_sum3A_160 = arith.constant dense<0.000000e+00> : vector<256xf32>
    %reduce_sum3A_161 = vector.multi_reduction <add>, %mul3A_159, %reduce_sum3A_160 [1] : vector<256x5120xf32> to vector<256xf32>
    %broadcast_in_dim3A_162 = vector.shape_cast %reduce_sum3A_161 : vector<256xf32> to vector<256x1xf32>
    %swap3A_163 = arith.constant 0 : index
    %swap3A_164 = arith.constant 2 : index
    %swap3A_165 = vector.load %arg4[%swap3A_163, %swap3A_164] : memref<256x8xf32, #tpu.memory_space<vmem>>, vector<256x1xf32>
    tpu.vector_store %arg4[%swap3A_163, %swap3A_164], %broadcast_in_dim3A_162 {strides = array<i32>} : memref<256x8xf32, #tpu.memory_space<vmem>>, vector<256x1xf32>,
    %slice3A_166 = vector.extract_strided_slice %get3A_135 {offsets = [3, 0], sizes = [1, 6144], strides = [1, 1]} : vector<5x6144xf32> to vector<1x6144xf32>
    %slice3A_167 = vector.extract_strided_slice %slice3A_166 {offsets = [0, 0], sizes = [1, 5120], strides = [1, 1]} : vector<1x6144xf32> to vector<1x5120xf32>
    %mul3A_168 = vector.broadcast %slice3A_167 : vector<1x5120xf32> to vector<256x5120xf32>
    %mul3A_169 = arith.mulf %select_n3A_132, %mul3A_168 : vector<256x5120xf32>
    %reduce_sum3A_170 = arith.constant dense<0.000000e+00> : vector<256xf32>
    %reduce_sum3A_171 = vector.multi_reduction <add>, %mul3A_169, %reduce_sum3A_170 [1] : vector<256x5120xf32> to vector<256xf32>
    %broadcast_in_dim3A_172 = vector.shape_cast %reduce_sum3A_171 : vector<256xf32> to vector<256x1xf32>
    %swap3A_173 = arith.constant 0 : index
    %swap3A_174 = arith.constant 3 : index
    %swap3A_175 = vector.load %arg4[%swap3A_173, %swap3A_174] : memref<256x8xf32, #tpu.memory_space<vmem>>, vector<256x1xf32>
    tpu.vector_store %arg4[%swap3A_173, %swap3A_174], %broadcast_in_dim3A_172 {strides = array<i32>} : memref<256x8xf32, #tpu.memory_space<vmem>>, vector<256x1xf32>,
    %slice3A_176 = vector.extract_strided_slice %get3A_135 {offsets = [4, 0], sizes = [1, 6144], strides = [1, 1]} : vector<5x6144xf32> to vector<1x6144xf32>
    %slice3A_177 = vector.extract_strided_slice %slice3A_176 {offsets = [0, 0], sizes = [1, 5120], strides = [1, 1]} : vector<1x6144xf32> to vector<1x5120xf32>
    %mul3A_178 = vector.broadcast %slice3A_177 : vector<1x5120xf32> to vector<256x5120xf32>
    %mul3A_179 = arith.mulf %select_n3A_132, %mul3A_178 : vector<256x5120xf32>
    %reduce_sum3A_180 = arith.constant dense<0.000000e+00> : vector<256xf32>
    %reduce_sum3A_181 = vector.multi_reduction <add>, %mul3A_179, %reduce_sum3A_180 [1] : vector<256x5120xf32> to vector<256xf32>
    %broadcast_in_dim3A_182 = vector.shape_cast %reduce_sum3A_181 : vector<256xf32> to vector<256x1xf32>
    %swap3A_183 = arith.constant 0 : index
    %swap3A_184 = arith.constant 4 : index
    %swap3A_185 = vector.load %arg4[%swap3A_183, %swap3A_184] : memref<256x8xf32, #tpu.memory_space<vmem>>, vector<256x1xf32>
    tpu.vector_store %arg4[%swap3A_183, %swap3A_184], %broadcast_in_dim3A_182 {strides = array<i32>} : memref<256x8xf32, #tpu.memory_space<vmem>>, vector<256x1xf32>,
    %broadcast_in_dim3A_186 = arith.constant 0.000000e+00 : f32
    %broadcast_in_dim3A_187 = vector.broadcast %broadcast_in_dim3A_186 : f32 to vector<256x3xf32>
    %swap3A_188 = arith.constant 0 : index
    %swap3A_189 = arith.constant 5 : index
    %swap3A_190 = vector.load %arg4[%swap3A_188, %swap3A_189] : memref<256x8xf32, #tpu.memory_space<vmem>>, vector<256x3xf32>
    tpu.vector_store %arg4[%swap3A_188, %swap3A_189], %broadcast_in_dim3A_187 {strides = array<i32>} : memref<256x8xf32, #tpu.memory_space<vmem>>, vector<256x3xf32>,
    %swap3A_191 = arith.constant 0 : index
    %swap3A_192 = arith.constant 0 : index
    %swap3A_193 = vector.load %arg5[%swap3A_191, %swap3A_192] : memref<256x8xf32, #tpu.memory_space<vmem>>, vector<256x1xf32>
    tpu.vector_store %arg5[%swap3A_191, %swap3A_192], %select_n3A_118 {strides = array<i32>} : memref<256x8xf32, #tpu.memory_space<vmem>>, vector<256x1xf32>,
    %swap3A_194 = arith.constant 0 : index
    %swap3A_195 = arith.constant 1 : index
    %swap3A_196 = vector.load %arg5[%swap3A_194, %swap3A_195] : memref<256x8xf32, #tpu.memory_space<vmem>>, vector<256x1xf32>
    tpu.vector_store %arg5[%swap3A_194, %swap3A_195], %select_n3A_103 {strides = array<i32>} : memref<256x8xf32, #tpu.memory_space<vmem>>, vector<256x1xf32>,
    %broadcast_in_dim3A_197 = arith.constant 0.000000e+00 : f32
    %broadcast_in_dim3A_198 = vector.broadcast %broadcast_in_dim3A_197 : f32 to vector<256x6xf32>
    %swap3A_199 = arith.constant 0 : index
    %swap3A_200 = arith.constant 2 : index
    %swap3A_201 = vector.load %arg5[%swap3A_199, %swap3A_200] : memref<256x8xf32, #tpu.memory_space<vmem>>, vector<256x6xf32>
    tpu.vector_store %arg5[%swap3A_199, %swap3A_200], %broadcast_in_dim3A_198 {strides = array<i32>} : memref<256x8xf32, #tpu.memory_space<vmem>>, vector<256x6xf32>,
    return
  }
}

</mosaic_0001>

<sc_bundles>
// kernel: kernel.4.cloned.1.call-start
scs
__scs_entry_jumppad:
0x0: {  	(pc) =	sbr.rel $0x88, $3  }
0x1: {  	(tag) =	ssettag $0x0;
	lr =	simm.s32 $0x1  }
0x2: {  	[smem:$0x3F9E] =	sst lr;
	_ =	strace $0xD0000000  }
0x3: {  	_ = 	snop  }
0x4: {  	_ = 	snop  }
0x5: {  	_ = 	snop  }
0x6: {  	_ = 	snop  }
0x7: {  	_ = 	snop  }
__scs_overlays_trampoline_lowered:
0x8: {  	[smem:$0x3FAD] =	sst s0  }
0x9: {  	[smem:$0x3FAE] =	sst s1  }
0xa: {  	[smem:$0x3FAF] =	sst s2  }
0xb: {  	[smem:$0x3FB0] =	sst s3  }
0xc: {  	[smem:$0x3FB1] =	sst s4  }
0xd: {  	[smem:$0x3FB2] =	sst s5  }
0xe: {  	[smem:$0x3FB3] =	sst s6  }
0xf: {  	[smem:$0x3FB4] =	sst s7  }
0x10: {  	[smem:$0x3FB5] =	sst s8  }
0x11: {  	[smem:$0x3FB6] =	sst s9;
	s0 =	simm.s32 @!p0 $0x0  }
0x12: {  	s1 =	sld [smem:$0x3F9C];
	s0 =	simm.s32 @p0 $0x1  }
0x13: {  	[smem:$0x3FB7] =	sst s0;
	s0 =	simm.s32 @!p1 $0x0  }
0x14: {  	s2 =	sld [smem:$0x3F9B];
	s0 =	simm.s32 @p1 $0x1  }
0x15: {  	[smem:$0x3FB8] =	sst s0;
	s0 =	simm.s32 @!p2 $0x0  }
0x16: {  	s3 =	sld [smem:$0x3FDB];
	s0 =	simm.s32 @p2 $0x1  }
0x17: {  	s4 =	simm.s32 $0x1BF5;
	[smem:$0x3FBA] =	sst s0  }
0x18: {  	s0 =	sld [smem:$0x3F9D];
	_ =	swait.ge [sflag:s4], $0x0  }
0x19: {  	s7 =	sld [smem:$0x3F9E]  }
0x1a: {  	s8 =	sadd.s32 $0xFFFFE003, lr  }
0x1b: {  	s9 =	sadd.s32 $0xFFFFFEF7, lr;
	s5 =	simm.s32 $0xFFFFFFFF;
	p2 =	slt.u32 s8, $0xFFFFF086  }
0x1c: {  	p1 =	slt.u32 s9, $0xF7A;
	s5 =	simm.s32 @!p2 $0x0  }
0x1d: {  	s5 =	simm.s32 @p1 $0x1;
	p0 =	seq.s32 s7, s2  }
0x1e: {  	s7 =	smul.u32 @!p0 $0xF7A, s2;
	p2 =	seq.s32 @!p0 s5, $0x0  }
0x1f: {  	s9 =	smul.u32 $0xF7A, s1;
	s8 =	simm.s32 @!p0 $0x1BF5;
	p2 =	por !p2, p0  }
0x20: {  	[sflag:s8] =	ssyncset.s32 @!p0 $0xFFFFF086;
	s6 =	sadd.s32 @!p0 s3, s7;
	s7 =	simm.s32 @!p0 $0x108  }
0x21: {  	s3 =	sadd.s32 s3, s9;
	s6 =	sadd.s32 @!p0 $0x88, s6;
	s7 =	simm.s32 @p2 $0x1082  }
0x22: {  	[simem:s7], [sflag:s8] =	dma.local @!p0 [hbm:s6], $0xF7A  }
0x23: {  	s9 =	sor.u32 $0xD0000000, s2;
	s6 =	simm.s32 $0x108;
	_ =	swait.ge @!p0 [sflag:s8], $0x0  }
0x24: {  	s3 =	sadd.s32 $0x88, s3;
	s6 =	simm.s32 @!p1 $0x1082;
	[sflag:s4] =	ssyncset.s32 $0xFFFFF086  }
0x25: {  	[simem:s6], [sflag:s4] =	dma.local [hbm:s3], $0xF7A  }
0x26: {  	[smem:$0x3F9E] =	sst s1;
	(tag) =	ssettag s2;
	_ =	strace s9  }
0x27: {  	s1 =	sld [smem:$0x3FAE]  }
0x28: {  	s2 =	sld [smem:$0x3FAF]  }
0x29: {  	s4 =	sld [smem:$0x3FB1]  }
0x2a: {  	p0 =	seq.s32 s5, $0x0;
	s5 =	sld [smem:$0x3FB2]  }
0x2b: {  	s6 =	sld [smem:$0x3FB3]  }
0x2c: {  	s7 =	sld [smem:$0x3FB4]  }
0x2d: {  	s3 =	simm.s32 $0x108;
	s8 =	sld [smem:$0x3FB5]  }
0x2e: {  	s3 =	simm.s32 @!p0 $0x1082;
	s9 =	sld [smem:$0x3FB6]  }
0x2f: {  	lr =	sadd.s32 s0, s3;
	s0 =	sld [smem:$0x3FAD]  }
0x30: {  	s3 =	sld [smem:$0x3FB0]  }
0x31: {  	[smem:$0x3FB9] =	sst s10  }
0x32: {  	s10 =	sld [smem:$0x3FB7];
	_ =	sdelay $0x3  }
0x33: {  	p0 =	seq.s32 s10, $0x1;
	s10 =	sld [smem:$0x3FB9];
	_ =	sdelay $0x3  }
0x34: {  	[smem:$0x3FB9] =	sst s10  }
0x35: {  	s10 =	sld [smem:$0x3FB8];
	_ =	sdelay $0x3  }
0x36: {  	p1 =	seq.s32 s10, $0x1;
	s10 =	sld [smem:$0x3FB9];
	_ =	sdelay $0x3  }
0x37: {  	[smem:$0x3FB9] =	sst s10  }
0x38: {  	s10 =	sld [smem:$0x3FBA]  }
0x39: {  	_ = 	snop;
	(pc) =	sbr.ind lr, $3  }
0x3a: {  	_ = 	snop  }
0x3b: {  	_ = 	snop  }
0x3c: {  	p2 =	seq.s32 s10, $0x1;
	s10 =	sld [smem:$0x3FB9]  }
0x3d: {  	_ =	shalt  }
0x3e: {  	_ =	shalt  }
0x3f: {  	_ =	shalt  }
0x40: {  	_ =	shalt  }
0x41: {  	_ =	shalt  }
0x42: {  	_ =	shalt  }
0x43: {  	_ =	shalt  }
0x44: {  	_ =	shalt  }
0x45: {  	_ =	shalt  }
0x46: {  	_ =	shalt  }
0x47: {  	_ =	shalt  }
0x48: {  	_ =	shalt  }
0x49: {  	_ =	shalt  }
0x4a: {  	_ =	shalt  }
0x4b: {  	_ =	shalt  }
0x4c: {  	_ =	shalt  }
0x4d: {  	_ =	shalt  }
0x4e: {  	_ =	shalt  }
0x4f: {  	_ =	shalt  }
0x50: {  	_ =	shalt  }
0x51: {  	_ =	shalt  }
0x52: {  	_ =	shalt  }
0x53: {  	_ =	shalt  }
0x54: {  	_ =	shalt  }
0x55: {  	_ =	shalt  }
0x56: {  	_ =	shalt  }
0x57: {  	_ =	shalt  }
0x58: {  	_ =	shalt  }
0x59: {  	_ =	shalt  }
0x5a: {  	_ =	shalt  }
0x5b: {  	_ =	shalt  }
0x5c: {  	_ =	shalt  }
0x5d: {  	_ =	shalt  }
0x5e: {  	_ =	shalt  }
0x5f: {  	_ =	shalt  }
0x60: {  	_ =	shalt  }
0x61: {  	_ =	shalt  }
0x62: {  	_ =	shalt  }
0x63: {  	_ =	shalt  }
0x64: {  	_ =	shalt  }
0x65: {  	_ =	shalt  }
0x66: {  	_ =	shalt  }
0x67: {  	_ =	shalt  }
0x68: {  	_ =	shalt  }
0x69: {  	_ =	shalt  }
0x6a: {  	_ =	shalt  }
0x6b: {  	_ =	shalt  }
0x6c: {  	_ =	shalt  }
0x6d: {  	_ =	shalt  }
0x6e: {  	_ =	shalt  }
0x6f: {  	_ =	shalt  }
0x70: {  	_ =	shalt  }
0x71: {  	_ =	shalt  }
0x72: {  	_ =	shalt  }
0x73: {  	_ =	shalt  }
0x74: {  	_ =	shalt  }
0x75: {  	_ =	shalt  }
0x76: {  	_ =	shalt  }
0x77: {  	_ =	shalt  }
0x78: {  	_ =	shalt  }
0x79: {  	_ =	shalt  }
0x7a: {  	_ =	shalt  }
0x7b: {  	_ =	shalt  }
0x7c: {  	_ =	shalt  }
0x7d: {  	_ =	shalt  }
0x7e: {  	_ =	shalt  }
0x7f: {  	_ =	shalt  }
0x80: {  	_ =	shalt  }
0x81: {  	_ =	shalt  }
0x82: {  	_ =	shalt  }
0x83: {  	_ =	shalt  }
0x84: {  	_ =	shalt  }
0x85: {  	_ =	shalt  }
0x86: {  	_ =	shalt  }
0x87: {  	_ =	shalt  }
.Lfunc_end0:
.L_simem_size_0:
called_computation_lowered:
.L_overlay_start_0:
0x88: {  	s2 =	sld [smem:$0x3FD9]  }
0x89: {  	s3 =	sld [smem:$0x3FFE];
	_ =	sdelay $0x1  }
0x8a: {  	s1 =	srdreg.scid  }
0x8b: {  	s0 =	sand.u32 $0x1, s1  }
0x8c: {  	s16 =	sshll.u32 s0, $0xA;
	s2 =	sadd.s32 s3, s2  }
0x8d: {  	s2 =	sadd.s32 s2, s16  }
0x8e: {  	[smem:$0x3FC5] =	sst s2  }
0x8f: {  	_ = 	snop  }
0x90: {  	(tm) =	ssettm $0x1  }
0x91: {  	s17 =	sld [smem:$0x3FFB];
	_ =	sdelay $0x3  }
0x92: {  	_ =	strace s17  }
0x93: {  	s2 =	sld [smem:$0x3FFC];
	_ =	sdelay $0x3  }
0x94: {  	_ =	strace s2  }
0x95: {  	s2 =	sld [smem:$0x3FFD];
	_ =	sdelay $0x3  }
0x96: {  	_ =	strace s2  }
0x97: {  	_ =	strace $0x8FFFFFFF  }
0x98: {  	s18 =	sld [smem:$0x3FDB];
	_ =	sdelay $0x1  }
0x99: {  	s19 =	simm.s32 $_scs_section_size  }
0x9a: {  	s4 =	simm.s32 $_size__tile_overlayer_lowered;
	s5 =	simm.s32 $_tile_overlayer_lowered  }
0x9b: {  	s22 =	simm.s32 $0x1BFF;
	s21 =	sshll.u32 s5, $0x1;
	s2 =	sadd.s32 s19, s18  }
0x9c: {  	s6 =	simm.s32 $0x0;
	s20 =	sshll.u32 s4, $0x1;
	s4 =	sadd.s32 s21, s2  }
0x9d: {  	[timem:s6], [sflag:s22] =	dma.local [hbm:s4], s20  }
0x9e: {  	_ =	swait.ge [sflag:s22], s20  }
0x9f: {  	s3 =	ssub.s32 $0x0, s20;
	[sflag:s22] =	ssyncset.done $0x0  }
0xa0: {  	[sflag:s22] =	ssyncadd.s32 s3;
	_ =	sdelay $0x1  }
0xa1: {  	s23 =	simm.s32 $0x1B8B  }
0xa2: {  	_ =	swait.ge [sflag:s23], $0x1  }
0xa3: {  	[sflag:s23] =	ssyncset.done $0x0  }
0xa4: {  	s25 =	simm.s32 $0x1B8E;
	s24 =	sld [smem:$0x3FFE];
	[sflag:s23] =	ssyncadd.s32 $0xFFFFFFFF  }
0xa5: {  	s26 =	simm.s32 $execute0_lowered;
	[smem:$0x3FD2] =	sst s25  }
0xa6: {  	s4 =	sshll.u32 s26, $0x1;
	_ =	strace $0x80000046;
	[dreg:$0x1] =	wrdreg $0xFFFFFFFF  }
0xa7: {  	s28 =	simm.s32 $_size_execute0_lowered;
	s2 =	sadd.s32 s2, s4;
	[dreg:$0x0] =	wrdreg $0x0  }
0xa8: {  	s4 =	sshll.u32 s28, $0x1;
	[dreg:$0x2] =	wrdreg s2  }
0xa9: {  	[dreg:$0x3] =	wrdreg s4  }
0xaa: {  	[dreg:$0x4] =	wrdreg $0xC0  }
0xab: {  	_ =	task [dreg:s6], $0x5FFFF  }
0xac: {  	[dreg:$0x1] =	wrdreg $0xFFFFFFFF  }
0xad: {  	[dreg:$0x0] =	wrdreg $0x60  }
0xae: {  	[dreg:$0x2] =	wrdreg s24  }
0xaf: {  	[dreg:$0x3] =	wrdreg $0x9  }
0xb0: {  	_ =	task.clear_ibuf [dreg:s6], $0x4FFFF;
	_ =	strace $0x90000046  }
0xb1: {  	s29 =	simm.s32 $0x9;
	_ =	strace $0x80000048  }
0xb2: {  	_ =	swait.ge [sflag:s29], $0x1  }
0xb3: {  	[sflag:s29] =	ssyncadd.s32 $0xFFFFFFFF  }
0xb4: {  	_ =	strace $0x90000048  }
0xb5: {  	_ =	sfence  }
0xb6: {  	s30 =	sld [smem:$0x0];
	_ =	sdelay $0x2  }
0xb7: {  	s31 =	sshll.u32 s1, $0xD;
	s1 =	sshrl.u32 s1, $0x2  }
0xb8: {  	s3 =	sand.u32 $0x4000, s31;
	s1 =	sadd.s32 s1, s30  }
0xb9: {  	s0 =	sor.u32 s3, s0;
	s1 =	sshll.u32 s1, $0x11  }
0xba: {  	s0 =	sor.u32 s1, s0  }
0xbb: {  	s0 =	sadd.s32 $0x8F2B, s0  }
0xbc: {  	[sflag:s0] =	ssyncadd.remote.s32 $0x1  }
0xbd: {  	_ =	sfence.sel $0xFFFF  }
0xbe: {  	[dreg:$0x0] =	wrdreg $0xFFFFFFFF;
	(pc) =	sbr.abs _section_cstart, $3  }
0xbf: {  	[dreg:$0x1] =	wrdreg $0xFFFFFFFF  }
0xc0: {  	_ =	task.clear_ibuf [dreg:s6], $0x2FFFF;
	_ =	strace $0x9FFFFFFF  }
0xc1: {  	(tm) =	ssettm $0x7FFFFFFF  }
tec
execute0_lowered:
.L_overlay_start_1:
0x0: {  	(tag) =	ssettag $0x1  }
0x1: {  	s1 =	srdreg.scid;
	s0 =	stileid.u32  }
0x2: {  	s6 =	sand.u32 $0x1, s1;
	s31 =	sshll.u32 s0, $0x1  }
0x3: {  	s7 =	sor.u32 s6, s31  }
0x4: {  	s2 =	rddreg [dreg:$0x0];
	s3 =	simm.s32 $0x0;
	s4 =	smul.u32 $0x14, s7  }
0x5: {  	s8 =	simm.s32 $0x1;
	[smem:$0x7FF] =	sst s3  }
0x6: {  	s1 =	rddreg [dreg:$0x1];
	_ =	strace $0x80000047;
	s4 =	sadd.s32 s4, s2  }
0x7: {  	s10 =	ssub.s32 $0x2, s6;
	s5 =	sadd.s32 $0x14000, s4;
	s4 =	simm.s32 $0x2  }
0x8: {  	[tilespmem:s3], [sflag:$0x2] =	stream.linear.gather [hbm4b:s5+s3], $0xA0, $0x38;
	[tilespmem:$0x5100] =	vst v63  }
0x9: {  	s6 =	simm.s32 $0xA0;
	s11 =	sshrl.u32 s10, $0x1;
	_ =	swait.ge [sflag:s4], $0xA0  }
0xa: {  	s9 =	smul.u32 $0xA00, s7;
	s10 =	ssub.s32 s10, s11;
	[sflag:s4] =	ssyncset.done $0x0  }
0xb: {  	s7 =	simm.s32 $0x100;
	s10 =	smax.u32 s10, $0x1;
	[sflag:s4] =	ssyncadd.s32 $0xFFFFFF60  }
0xc: {  	[tilespmem:s7], [sflag:$0x1] =	stream.indirect.gather [hbm4b:s2+s6], $0x80, s3, s6, $0xb8;
	[tilespmem:$0x5100] =	vst v63  }
0xd: {  	p0 =	sne.s32 s10, $0x1;
	_ =	swait.ge [sflag:s8], $0x5000  }
.Ltmp0:
0xe: {  	s9 =	sadd.s32 s9, s2;
	[sflag:s8] =	ssyncset.done $0x0;
	(pc) =	sbr.rel @!p0 .LBB2_2-.Ltmp0, $4  }
0xf: {  	s9 =	sadd.s32 $0x14400, s9;
	[sflag:s8] =	ssyncadd.s32 $0xFFFFB000  }
0x10: {  	[hbm4b:s9+s3] =	stream.linear.scatter [tilespmem:s7], [sflag:$0x2], $0x5000, $0x38;
	[tilespmem:$0x5100] =	vst v63  }
0x11: {  	_ =	swait.ge [sflag:s4], $0x5000  }
0x12: {  	s10 =	sadd.s32 $0xFFFFFFFF, s10;
	[sflag:s4] =	ssyncset.done $0x0  }
.LBB2_1:
0x13: {  	p0 =	sne.s32 s10, $0x1;
	s10 =	sadd.s32 $0xFFFFFFFF, s10;
	[sflag:s4] =	ssyncadd.s32 $0xFFFFB000  }
0x14: {  	[tilespmem:s3], [sflag:$0x2] =	stream.linear.gather [hbm4b:s5+s3], $0xA0, $0x38;
	[tilespmem:$0x5100] =	vst v63  }
0x15: {  	_ =	swait.ge [sflag:s4], $0xA0  }
0x16: {  	[sflag:s4] =	ssyncset.done $0x0  }
0x17: {  	[sflag:s4] =	ssyncadd.s32 $0xFFFFFF60  }
0x18: {  	[tilespmem:s7], [sflag:$0x1] =	stream.indirect.gather [hbm4b:s2+s6], $0x80, s3, s6, $0xb8;
	[tilespmem:$0x5100] =	vst v63  }
0x19: {  	_ =	swait.ge [sflag:s8], $0x5000  }
.Ltmp1:
0x1a: {  	[sflag:s8] =	ssyncset.done $0x0;
	(pc) =	sbr.rel @p0 .LBB2_1-.Ltmp1, $4  }
0x1b: {  	[sflag:s8] =	ssyncadd.s32 $0xFFFFB000  }
0x1c: {  	[hbm4b:s9+s3] =	stream.linear.scatter [tilespmem:s7], [sflag:$0x2], $0x5000, $0x38;
	[tilespmem:$0x5100] =	vst v63  }
0x1d: {  	_ =	swait.ge [sflag:s4], $0x5000  }
0x1e: {  	[sflag:s4] =	ssyncset.done $0x0  }
.LBB2_2:
0x1f: {  	[sflag:s4] =	ssyncadd.s32 $0xFFFFB000  }
0x20: {  	_ =	sfence.sel $0x180000  }
0x21: {  	[bflag:$0x0] =	sbarrier.arrive $0xFFFF  }
0x22: {  	p0 =	sne.s32 s0, $0x0;
	_ =	strace $0x90000047  }
0x23: {  	s0 =	sadd.s32 @!p0 $0x100000, s1;
	[bflag:$0x2] =	sbarrier.arrive $0xFFFF  }
0x24: {  	[sflag:s0] =	ssyncadd.tile.s32 @!p0 $0x1;
	_ =	shalt  }
.Lfunc_end2:
_tile_overlayer_lowered:
.L_overlay_start_2:
0x25: {  	(tag) =	ssettag $0x2  }
0x26: {  	s0 =	rddreg [dreg:$0x0];
	s2 =	stileid.u32  }
0x27: {  	s1 =	rddreg [dreg:$0x1];
	p0 =	sne.s32 s2, $0x0  }
0x28: {  	s3 =	rddreg [dreg:$0x2];
	[bflag:$0x3] =	sbarrier.arrive $0xFFFF;
	s2 =	simm.s32 @!p0 $0x1C02  }
0x29: {  	[timem:s3], [sflag:s2] =	dma.local @!p0 [hbm:s0], s1  }
0x2a: {  	s0 =	simm.s32 @!p0 $0x2  }
0x2b: {  	_ =	swait.ge @!p0 [sflag:s0], s1  }
0x2c: {  	s1 =	ssub.s32 @!p0 $0x0, s1;
	[sflag:s0] =	ssyncset.done @!p0 $0x0  }
0x2d: {  	[sflag:s0] =	ssyncadd.s32 @!p0 s1  }
0x2e: {  	[bflag:$0x3] =	sbarrier.arrive $0xFFFF  }
0x2f: {  	_ =	shalt  }

</sc_bundles>
